<compile_context>
chip_gen: v7x
topology: tpu7x:2x2x1
jax: 0.10.2.dev20260603
libtpu: 0.0.44.dev20260713+nightly
codegen_flags: <defaults>
</compile_context>

<pallas_src>
import functools

import jax
import jax.numpy as jnp
from jax import lax
from jax.experimental import pallas as pl
from jax.experimental.pallas import tpu as pltpu
from jax.experimental.pallas import tpu_sc as plsc

_N, _E, _C, _D = 10000, 320000, 16, 128
_W = 160
_SCALED = _D + _C
_NC, _NS = 2, 16
_NW = _NC * _NS
_EPW = _E // _NW
_K = 80
_NBLK = _EPW // _K
_NP = 10240
_RPT = _NP // _NS
_ZR = 128


def _prologue_body(h_ref, lg_ref, al_ref, ar_ref, x_ref, el_ref, er_ref,
                   pred_ref):
    h = h_ref[...]
    el_ref[...] = jnp.sum(h * al_ref[...], axis=1, keepdims=True)
    er_ref[...] = jnp.sum(h * ar_ref[...], axis=1, keepdims=True)
    lg = lg_ref[...]
    pred = jnp.argmax(lg, axis=1).astype(jnp.int32)
    pred_ref[...] = pred[:, None]
    oh = (lax.broadcasted_iota(jnp.int32, (_N, _C), 1) == pred[:, None])
    x_ref[...] = jnp.concatenate(
        [h, oh.astype(jnp.float32),
         jnp.ones((_N, 1), jnp.float32),
         el_ref[...],
         jnp.zeros((_N, _W - _SCALED - 2), jnp.float32)], axis=1)


_prologue = pl.pallas_call(
    _prologue_body,
    out_shape=[
        jax.ShapeDtypeStruct((_N, _W), jnp.float32),
        jax.ShapeDtypeStruct((_N, 1), jnp.float32),
        jax.ShapeDtypeStruct((_N, 1), jnp.float32),
        jax.ShapeDtypeStruct((_N, 1), jnp.int32),
    ],
)


def _sc_edge_body(x_hbm, er_hbm, src_hbm, dst_hbm, out_hbm,
                  er_tab, srcb, dstb, erb, rows, acc, sem):
    c = lax.axis_index("c")
    s = lax.axis_index("s")
    wid = s * _NC + c

    pltpu.sync_copy(er_hbm, er_tab)

    zv = jnp.zeros((16,), jnp.float32)

    def _zb(i, carry):
        for r in range(_W // 16):
            rows[i, pl.ds(r * 16, 16)] = zv
        return carry

    lax.fori_loop(0, _K, _zb, 0)
    for j in range(_RPT // _K):
        pltpu.sync_copy(rows, acc.at[pl.ds(s * _RPT + j * _K, _K)])
    plsc.subcore_barrier()

    base0 = wid * _EPW

    def _blk(b, carry):
        off = base0 + b * _K
        pltpu.sync_copy(src_hbm.at[pl.ds(off, _K)], srcb)
        pltpu.sync_copy(dst_hbm.at[pl.ds(off, _K)], dstb)
        cp = pltpu.async_copy(x_hbm.at[srcb], rows, sem)
        for v in range(_K // 16):
            sl = pl.ds(v * 16, 16)
            erb[sl] = plsc.load_gather(er_tab, [dstb[sl]])
        cp.wait()

        def _scale(i, carry2):
            ev = rows[i, pl.ds(_SCALED, 16)]
            rv = erb[pl.ds(i, 16)]
            el_s = ev[1]
            er_d = rv[0]
            xx = el_s + er_d
            e = jnp.where(xx >= 0.0, xx, 0.2 * xx)
            sh = jnp.where(er_d >= 0.0, er_d, 0.2 * er_d)
            g = jnp.exp(jnp.full((16,), e - sh, jnp.float32))
            for r in range(_SCALED // 16):
                rows[i, pl.ds(r * 16, 16)] = rows[i, pl.ds(r * 16, 16)] * g
            return carry2

        lax.fori_loop(0, _K, _scale, 0)
        pltpu.sync_copy(rows, acc.at[dstb], add=True)
        return carry

    lax.fori_loop(0, _NBLK, _blk, 0)
    plsc.subcore_barrier()

    for j in range(_RPT // _ZR):
        sl = pl.ds(s * _RPT + j * _ZR, _ZR)
        pltpu.sync_copy(acc.at[sl], out_hbm.at[c, sl])


@functools.lru_cache(maxsize=1)
def _sc_edge():
  return pl.kernel(
    _sc_edge_body,
    out_type=jax.ShapeDtypeStruct((_NC, _NP, _W), jnp.float32),
    mesh=plsc.VectorSubcoreMesh(core_axis_name="c", subcore_axis_name="s",
                                num_cores=_NC, num_subcores=_NS),
    scratch_types=[
        pltpu.VMEM((_N,), jnp.float32),
        pltpu.VMEM((_K,), jnp.int32),
        pltpu.VMEM((_K,), jnp.int32),
        pltpu.VMEM((_K + 16,), jnp.float32),
        pltpu.VMEM((_K, _W), jnp.float32),
        pltpu.VMEM_SHARED((_NP, _W), jnp.float32),
        pltpu.SemaphoreType.DMA,
    ],
    compiler_params=pltpu.CompilerParams(needs_layout_passes=False,
                                         use_tc_tiling_on_sc=False),
  )


def _stats_body(extT_ref, predT_ref, ozT_ref, t1_ref, t2_ref,
                zT_ref, coefT_ref):
    extT = extT_ref[0] + extT_ref[1]
    cu = extT[:_C]
    degs = jnp.maximum(extT[_C:_C + 1], 1.0)
    esum = jnp.sum(cu, axis=0, keepdims=True)
    se = jnp.maximum(esum, 1e-16)
    cnts = cu / se / degs
    predT = predT_ref[...]
    oh = (lax.broadcasted_iota(jnp.int32, (_C, _N), 0) == predT)
    f1 = jnp.sum(jnp.where(oh, cnts, 0.0), axis=0, keepdims=True)
    present = jnp.sum(cu, axis=1, keepdims=True) > 0.0
    cc = jnp.maximum(cnts, 1e-5)
    f2 = -jnp.sum(jnp.where(present, cc * jnp.log(cc), 0.0), axis=0,
                  keepdims=True)

    def _ln(x):
        mu = jnp.mean(x)
        var = jnp.mean((x - mu) ** 2)
        return (x - mu) / jnp.sqrt(var + 1e-5)

    def _sig(x):
        return 1.0 / (1.0 + jnp.exp(-x))

    z = _sig(-(_ln(f1) - t1_ref[0, 0])) * _sig(-(_ln(f2) - t2_ref[0, 0]))
    zT_ref[...] = z
    coefT_ref[...] = jnp.minimum(ozT_ref[...], z) * lax.rsqrt(degs) / se


_stats = pl.pallas_call(
    _stats_body,
    out_shape=[
        jax.ShapeDtypeStruct((1, _N), jnp.float32),
        jax.ShapeDtypeStruct((1, _N), jnp.float32),
    ],
)


def _update_body(h_ref, agg_ref, zT_ref, coefT_ref, nh_ref, z_ref):
    coef = jnp.transpose(coefT_ref[...])
    nh_ref[...] = h_ref[...] + coef * (agg_ref[0] + agg_ref[1])
    z_ref[...] = jnp.transpose(zT_ref[...])


_update = pl.pallas_call(
    _update_body,
    out_shape=[
        jax.ShapeDtypeStruct((_N, _D), jnp.float32),
        jax.ShapeDtypeStruct((_N, 1), jnp.float32),
    ],
)


def kernel(h, logits, old_z, attn_l, attn_r, tau1, tau2, edge_index):
    nh_, hh, dd = h.shape
    h2 = h.reshape(nh_, dd)
    x, el, er, pred = _prologue(h2, logits,
                                attn_l.reshape(1, dd), attn_r.reshape(1, dd))
    ext = _sc_edge()(x, er.reshape(_N), edge_index[0], edge_index[1])
    extT = jnp.transpose(ext[:, :_N, _D:_SCALED + 1], (0, 2, 1))
    agg = ext[:, :_N, :_D]
    zT, coefT = _stats(extT, pred.reshape(1, _N), old_z.reshape(1, _N),
                       tau1.reshape(1, 1), tau2.reshape(1, 1))
    nh, z = _update(h2, agg, zT, coefT)
    return nh.reshape(nh_, hh, dd), z

# --- scband reference (transcript-rebuilt; emitter-appended) ---
"""Pipeline reference for scband-gated-attn-layer-25512105738337 (READ-ONLY COPY).

The authoritative reference and input builder live on the scoring server;
editing this copy changes nothing except your own understanding.
"""

import jax, jax.numpy as jnp
import numpy as np

N, E, H, D, C = 10000, 320000, 1, 128, 16

def _ln(x):
    mu = jnp.mean(x)
    var = jnp.mean((x - mu) ** 2)
    return (x - mu) / jnp.sqrt(var + 1e-5)

def _forward(h, logits, old_z, attn_l, attn_r, tau1, tau2, edge_index):
    src, dst = edge_index[0], edge_index[1]
    feat = h
    degs = jnp.maximum(jnp.bincount(dst, length=N).astype(jnp.float32), 1.0)
    el = jnp.sum(feat * attn_l, axis=-1)
    er = jnp.sum(feat * attn_r, axis=-1)
    e = jax.nn.leaky_relu(el[src] + er[dst], 0.2)
    emax = jax.ops.segment_max(e, dst, num_segments=N)
    emax = jnp.where(jnp.isfinite(emax), emax, 0.0)
    ex = jnp.exp(e - emax[dst])
    esum = jax.ops.segment_sum(ex, dst, num_segments=N)
    a = ex / jnp.maximum(esum[dst], 1e-16)
    pred = jnp.argmax(logits, axis=1)
    pred_src = pred[src]
    onehot = jax.nn.one_hot(pred_src, C, dtype=a.dtype)
    cnts = jax.ops.segment_sum(a[:, :, None] * onehot[:, None, :], dst, num_segments=N) / degs[:, None, None]
    center_oh = jax.nn.one_hot(pred, C, dtype=a.dtype)
    f1 = jnp.sum(cnts * center_oh[:, None, :], axis=2)
    present = jnp.bincount(pred_src, length=C) > 0
    cc = jnp.maximum(cnts, 1e-5)
    f2 = -jnp.sum(jnp.where(present[None, None, :], cc * jnp.log(cc), 0.0), axis=2)
    f1 = jax.lax.stop_gradient(f1)
    f2 = jax.lax.stop_gradient(f2)
    agg = jax.ops.segment_sum(feat[src] * a[:, :, None], dst, num_segments=N)
    z = jax.nn.sigmoid(-(_ln(f1) - tau1)) * jax.nn.sigmoid(-(_ln(f2) - tau2))
    gate = jnp.minimum(old_z, z)
    normagg = agg * (degs ** -0.5)[:, None, None]
    new_h = feat + gate[:, :, None] * normagg
    return new_h, z

def setup_inputs(seed: int = 0):
    key = jax.random.key(seed)
    ks = jax.random.split(key, 8)
    edge_index = jax.random.randint(ks[0], (2, E), 0, N)
    h = jax.random.normal(ks[1], (N, H, D), dtype=jnp.float32)
    logits = jax.random.normal(ks[2], (N, C), dtype=jnp.float32)
    old_z = jax.random.uniform(ks[3], (N, H), dtype=jnp.float32)
    attn_l = jax.random.normal(ks[4], (1, H, D), dtype=jnp.float32)
    attn_r = jax.random.normal(ks[5], (1, H, D), dtype=jnp.float32)
    tau1 = jax.random.uniform(ks[6], (1,), dtype=jnp.float32)
    tau2 = jax.random.uniform(ks[7], (1,), dtype=jnp.float32)
    return {'h': h, 'logits': logits, 'old_z': old_z, 'attn_l': attn_l, 'attn_r': attn_r, 'tau1': tau1, 'tau2': tau2, 'edge_index': edge_index}

def reference(h, logits, old_z, attn_l, attn_r, tau1, tau2, edge_index):
    return _forward(h, logits, old_z, attn_l, attn_r, tau1, tau2, edge_index)

if __name__ == "__main__":
    import jax
    _d = setup_inputs()
    print(jax.jit(kernel)(*tuple(_d.values())))

</pallas_src>

<mosaic_0001>
#map = affine_map<(d0, d1) -> (0, 0)>
#map1 = affine_map<(d0, d1) -> (0)>
#map2 = affine_map<(d0, d1) -> (0, 0, 0)>
module attributes {stable_mosaic.version = 14 : i64} {
  func.func @_sc_edge_body(%arg0: i32, %arg1: i32, %arg2: memref<10000x160xf32, #tpu.memory_space<hbm>>, %arg3: memref<10000xf32, #tpu.memory_space<hbm>>, %arg4: memref<320000xi32, #tpu.memory_space<hbm>>, %arg5: memref<320000xi32, #tpu.memory_space<hbm>>, %arg6: memref<2x10240x160xf32, #tpu.memory_space<hbm>>, %arg7: memref<10000xf32, #tpu.memory_space<vmem>>, %arg8: memref<80xi32, #tpu.memory_space<vmem>>, %arg9: memref<80xi32, #tpu.memory_space<vmem>>, %arg10: memref<96xf32, #tpu.memory_space<vmem>>, %arg11: memref<80x160xf32, #tpu.memory_space<vmem>>, %arg12: memref<10240x160xf32, #tpu.memory_space<vmem_shared>>, %arg13: memref<!tpu.dma_semaphore, #tpu.memory_space<semaphore_mem>>) attributes {dimension_semantics = [#tpu.dimension_semantics<core_parallel>, #tpu.dimension_semantics<subcore_parallel>], iteration_bounds = array<i64: 2, 16>, scalar_prefetch = 0 : i64, scratch_operands = 7 : i64, tpu.core_type = #tpu.core_type<sc_vector_subcore>, window_params = [{transform_indices = #map}, {transform_indices = #map1}, {transform_indices = #map1}, {transform_indices = #map1}, {transform_indices = #map2}]} {
    %mul3A = arith.constant 2 : i32
    %mul3A_0 = arith.muli %arg1, %mul3A : i32
    %add3A = arith.addi %mul3A_0, %arg0 : i32
    "tpu.region"() ({
      %run_scoped3A = tpu.sem_alloc : memref<!tpu.dma_semaphore, #tpu.memory_space<semaphore_mem>>
      tpu.enqueue_dma source(%arg3 : memref<10000xf32, #tpu.memory_space<hbm>>) target(%arg7 : memref<10000xf32, #tpu.memory_space<vmem>>) target_semaphore(%run_scoped3A : memref<!tpu.dma_semaphore, #tpu.memory_space<semaphore_mem>>)
      tpu.wait_dma2 semaphore(%run_scoped3A : memref<!tpu.dma_semaphore, #tpu.memory_space<semaphore_mem>>) src(%arg3 : memref<10000xf32, #tpu.memory_space<hbm>>) dst(%arg7 : memref<10000xf32, #tpu.memory_space<vmem>>)
      tpu.yield
    }) : () -> ()
    %broadcast_in_dim3A = arith.constant 0.000000e+00 : f32
    %broadcast_in_dim3A_1 = vector.broadcast %broadcast_in_dim3A : f32 to vector<16xf32>
    %scan3A = arith.constant 0 : i32
    %scan3A_2 = arith.constant 0 : i32
    %scan3A_3 = arith.constant 80 : i32
    %scan3A_4 = arith.addi %scan3A_2, %scan3A_3 : i32
    %scan3A_5 = arith.constant 1 : i32
    scf.for %scan3A_68 = %scan3A_2 to %scan3A_4 step %scan3A_5  : i32 {
      %swap3A = arith.index_cast %scan3A_68 : i32 to index
      %swap3A_69 = arith.constant 0 : index
      %swap3A_70 = tpu.vector_load %arg11[%swap3A, %swap3A_69] {strides = array<i32>} : memref<80x160xf32, #tpu.memory_space<vmem>>, vector<16xf32>,
      tpu.vector_store %arg11[%swap3A, %swap3A_69], %broadcast_in_dim3A_1 {strides = array<i32>} : memref<80x160xf32, #tpu.memory_space<vmem>>, vector<16xf32>,
      %swap3A_71 = arith.index_cast %scan3A_68 : i32 to index
      %swap3A_72 = arith.constant 16 : index
      %swap3A_73 = tpu.vector_load %arg11[%swap3A_71, %swap3A_72] {strides = array<i32>} : memref<80x160xf32, #tpu.memory_space<vmem>>, vector<16xf32>,
      tpu.vector_store %arg11[%swap3A_71, %swap3A_72], %broadcast_in_dim3A_1 {strides = array<i32>} : memref<80x160xf32, #tpu.memory_space<vmem>>, vector<16xf32>,
      %swap3A_74 = arith.index_cast %scan3A_68 : i32 to index
      %swap3A_75 = arith.constant 32 : index
      %swap3A_76 = tpu.vector_load %arg11[%swap3A_74, %swap3A_75] {strides = array<i32>} : memref<80x160xf32, #tpu.memory_space<vmem>>, vector<16xf32>,
      tpu.vector_store %arg11[%swap3A_74, %swap3A_75], %broadcast_in_dim3A_1 {strides = array<i32>} : memref<80x160xf32, #tpu.memory_space<vmem>>, vector<16xf32>,
      %swap3A_77 = arith.index_cast %scan3A_68 : i32 to index
      %swap3A_78 = arith.constant 48 : index
      %swap3A_79 = tpu.vector_load %arg11[%swap3A_77, %swap3A_78] {strides = array<i32>} : memref<80x160xf32, #tpu.memory_space<vmem>>, vector<16xf32>,
      tpu.vector_store %arg11[%swap3A_77, %swap3A_78], %broadcast_in_dim3A_1 {strides = array<i32>} : memref<80x160xf32, #tpu.memory_space<vmem>>, vector<16xf32>,
      %swap3A_80 = arith.index_cast %scan3A_68 : i32 to index
      %swap3A_81 = arith.constant 64 : index
      %swap3A_82 = tpu.vector_load %arg11[%swap3A_80, %swap3A_81] {strides = array<i32>} : memref<80x160xf32, #tpu.memory_space<vmem>>, vector<16xf32>,
      tpu.vector_store %arg11[%swap3A_80, %swap3A_81], %broadcast_in_dim3A_1 {strides = array<i32>} : memref<80x160xf32, #tpu.memory_space<vmem>>, vector<16xf32>,
      %swap3A_83 = arith.index_cast %scan3A_68 : i32 to index
      %swap3A_84 = arith.constant 80 : index
      %swap3A_85 = tpu.vector_load %arg11[%swap3A_83, %swap3A_84] {strides = array<i32>} : memref<80x160xf32, #tpu.memory_space<vmem>>, vector<16xf32>,
      tpu.vector_store %arg11[%swap3A_83, %swap3A_84], %broadcast_in_dim3A_1 {strides = array<i32>} : memref<80x160xf32, #tpu.memory_space<vmem>>, vector<16xf32>,
      %swap3A_86 = arith.index_cast %scan3A_68 : i32 to index
      %swap3A_87 = arith.constant 96 : index
      %swap3A_88 = tpu.vector_load %arg11[%swap3A_86, %swap3A_87] {strides = array<i32>} : memref<80x160xf32, #tpu.memory_space<vmem>>, vector<16xf32>,
      tpu.vector_store %arg11[%swap3A_86, %swap3A_87], %broadcast_in_dim3A_1 {strides = array<i32>} : memref<80x160xf32, #tpu.memory_space<vmem>>, vector<16xf32>,
      %swap3A_89 = arith.index_cast %scan3A_68 : i32 to index
      %swap3A_90 = arith.constant 112 : index
      %swap3A_91 = tpu.vector_load %arg11[%swap3A_89, %swap3A_90] {strides = array<i32>} : memref<80x160xf32, #tpu.memory_space<vmem>>, vector<16xf32>,
      tpu.vector_store %arg11[%swap3A_89, %swap3A_90], %broadcast_in_dim3A_1 {strides = array<i32>} : memref<80x160xf32, #tpu.memory_space<vmem>>, vector<16xf32>,
      %swap3A_92 = arith.index_cast %scan3A_68 : i32 to index
      %swap3A_93 = arith.constant 128 : index
      %swap3A_94 = tpu.vector_load %arg11[%swap3A_92, %swap3A_93] {strides = array<i32>} : memref<80x160xf32, #tpu.memory_space<vmem>>, vector<16xf32>,
      tpu.vector_store %arg11[%swap3A_92, %swap3A_93], %broadcast_in_dim3A_1 {strides = array<i32>} : memref<80x160xf32, #tpu.memory_space<vmem>>, vector<16xf32>,
      %swap3A_95 = arith.index_cast %scan3A_68 : i32 to index
      %swap3A_96 = arith.constant 144 : index
      %swap3A_97 = tpu.vector_load %arg11[%swap3A_95, %swap3A_96] {strides = array<i32>} : memref<80x160xf32, #tpu.memory_space<vmem>>, vector<16xf32>,
      tpu.vector_store %arg11[%swap3A_95, %swap3A_96], %broadcast_in_dim3A_1 {strides = array<i32>} : memref<80x160xf32, #tpu.memory_space<vmem>>, vector<16xf32>,
    }
    %scan3A_6 = arith.constant 80 : i32
    %mul3A_7 = arith.constant 640 : i32
    %mul3A_8 = arith.muli %arg1, %mul3A_7 : i32
    %add3A_9 = arith.constant 0 : i32
    %add3A_10 = arith.addi %mul3A_8, %add3A_9 : i32
    "tpu.region"() ({
      %run_scoped3A = tpu.sem_alloc : memref<!tpu.dma_semaphore, #tpu.memory_space<semaphore_mem>>
      %dma_start3A = arith.constant 0 : i32
      %dma_start3A_68 = tpu.memref_slice %arg12[%add3A_10, %dma_start3A] : memref<10240x160xf32, #tpu.memory_space<vmem_shared>> -> memref<80x160xf32, #tpu.memory_space<vmem_shared>>
      %dma_start3A_69 = arith.constant 0 : i32
      %dma_start3A_70 = tpu.memref_slice %arg12[%add3A_10, %dma_start3A_69] : memref<10240x160xf32, #tpu.memory_space<vmem_shared>> -> memref<80x160xf32, #tpu.memory_space<vmem_shared>>
      tpu.enqueue_dma source(%arg11 : memref<80x160xf32, #tpu.memory_space<vmem>>) target(%dma_start3A_70 : memref<80x160xf32, #tpu.memory_space<vmem_shared>>) target_semaphore(%run_scoped3A : memref<!tpu.dma_semaphore, #tpu.memory_space<semaphore_mem>>)
      %dma_wait3A = arith.constant 0 : i32
      %dma_wait3A_71 = tpu.memref_slice %arg12[%add3A_10, %dma_wait3A] : memref<10240x160xf32, #tpu.memory_space<vmem_shared>> -> memref<80x160xf32, #tpu.memory_space<vmem_shared>>
      %dma_wait3A_72 = arith.constant 0 : i32
      %dma_wait3A_73 = tpu.memref_slice %arg12[%add3A_10, %dma_wait3A_72] : memref<10240x160xf32, #tpu.memory_space<vmem_shared>> -> memref<80x160xf32, #tpu.memory_space<vmem_shared>>
      tpu.wait_dma2 semaphore(%run_scoped3A : memref<!tpu.dma_semaphore, #tpu.memory_space<semaphore_mem>>) src(%arg11 : memref<80x160xf32, #tpu.memory_space<vmem>>) dst(%dma_wait3A_73 : memref<80x160xf32, #tpu.memory_space<vmem_shared>>)
      tpu.yield
    }) : () -> ()
    %mul3A_11 = arith.constant 640 : i32
    %mul3A_12 = arith.muli %arg1, %mul3A_11 : i32
    %add3A_13 = arith.constant 80 : i32
    %add3A_14 = arith.addi %mul3A_12, %add3A_13 : i32
    "tpu.region"() ({
      %run_scoped3A = tpu.sem_alloc : memref<!tpu.dma_semaphore, #tpu.memory_space<semaphore_mem>>
      %dma_start3A = arith.constant 0 : i32
      %dma_start3A_68 = tpu.memref_slice %arg12[%add3A_14, %dma_start3A] : memref<10240x160xf32, #tpu.memory_space<vmem_shared>> -> memref<80x160xf32, #tpu.memory_space<vmem_shared>>
      %dma_start3A_69 = arith.constant 0 : i32
      %dma_start3A_70 = tpu.memref_slice %arg12[%add3A_14, %dma_start3A_69] : memref<10240x160xf32, #tpu.memory_space<vmem_shared>> -> memref<80x160xf32, #tpu.memory_space<vmem_shared>>
      tpu.enqueue_dma source(%arg11 : memref<80x160xf32, #tpu.memory_space<vmem>>) target(%dma_start3A_70 : memref<80x160xf32, #tpu.memory_space<vmem_shared>>) target_semaphore(%run_scoped3A : memref<!tpu.dma_semaphore, #tpu.memory_space<semaphore_mem>>)
      %dma_wait3A = arith.constant 0 : i32
      %dma_wait3A_71 = tpu.memref_slice %arg12[%add3A_14, %dma_wait3A] : memref<10240x160xf32, #tpu.memory_space<vmem_shared>> -> memref<80x160xf32, #tpu.memory_space<vmem_shared>>
      %dma_wait3A_72 = arith.constant 0 : i32
      %dma_wait3A_73 = tpu.memref_slice %arg12[%add3A_14, %dma_wait3A_72] : memref<10240x160xf32, #tpu.memory_space<vmem_shared>> -> memref<80x160xf32, #tpu.memory_space<vmem_shared>>
      tpu.wait_dma2 semaphore(%run_scoped3A : memref<!tpu.dma_semaphore, #tpu.memory_space<semaphore_mem>>) src(%arg11 : memref<80x160xf32, #tpu.memory_space<vmem>>) dst(%dma_wait3A_73 : memref<80x160xf32, #tpu.memory_space<vmem_shared>>)
      tpu.yield
    }) : () -> ()
    %mul3A_15 = arith.constant 640 : i32
    %mul3A_16 = arith.muli %arg1, %mul3A_15 : i32
    %add3A_17 = arith.constant 160 : i32
    %add3A_18 = arith.addi %mul3A_16, %add3A_17 : i32
    "tpu.region"() ({
      %run_scoped3A = tpu.sem_alloc : memref<!tpu.dma_semaphore, #tpu.memory_space<semaphore_mem>>
      %dma_start3A = arith.constant 0 : i32
      %dma_start3A_68 = tpu.memref_slice %arg12[%add3A_18, %dma_start3A] : memref<10240x160xf32, #tpu.memory_space<vmem_shared>> -> memref<80x160xf32, #tpu.memory_space<vmem_shared>>
      %dma_start3A_69 = arith.constant 0 : i32
      %dma_start3A_70 = tpu.memref_slice %arg12[%add3A_18, %dma_start3A_69] : memref<10240x160xf32, #tpu.memory_space<vmem_shared>> -> memref<80x160xf32, #tpu.memory_space<vmem_shared>>
      tpu.enqueue_dma source(%arg11 : memref<80x160xf32, #tpu.memory_space<vmem>>) target(%dma_start3A_70 : memref<80x160xf32, #tpu.memory_space<vmem_shared>>) target_semaphore(%run_scoped3A : memref<!tpu.dma_semaphore, #tpu.memory_space<semaphore_mem>>)
      %dma_wait3A = arith.constant 0 : i32
      %dma_wait3A_71 = tpu.memref_slice %arg12[%add3A_18, %dma_wait3A] : memref<10240x160xf32, #tpu.memory_space<vmem_shared>> -> memref<80x160xf32, #tpu.memory_space<vmem_shared>>
      %dma_wait3A_72 = arith.constant 0 : i32
      %dma_wait3A_73 = tpu.memref_slice %arg12[%add3A_18, %dma_wait3A_72] : memref<10240x160xf32, #tpu.memory_space<vmem_shared>> -> memref<80x160xf32, #tpu.memory_space<vmem_shared>>
      tpu.wait_dma2 semaphore(%run_scoped3A : memref<!tpu.dma_semaphore, #tpu.memory_space<semaphore_mem>>) src(%arg11 : memref<80x160xf32, #tpu.memory_space<vmem>>) dst(%dma_wait3A_73 : memref<80x160xf32, #tpu.memory_space<vmem_shared>>)
      tpu.yield
    }) : () -> ()
    %mul3A_19 = arith.constant 640 : i32
    %mul3A_20 = arith.muli %arg1, %mul3A_19 : i32
    %add3A_21 = arith.constant 240 : i32
    %add3A_22 = arith.addi %mul3A_20, %add3A_21 : i32
    "tpu.region"() ({
      %run_scoped3A = tpu.sem_alloc : memref<!tpu.dma_semaphore, #tpu.memory_space<semaphore_mem>>
      %dma_start3A = arith.constant 0 : i32
      %dma_start3A_68 = tpu.memref_slice %arg12[%add3A_22, %dma_start3A] : memref<10240x160xf32, #tpu.memory_space<vmem_shared>> -> memref<80x160xf32, #tpu.memory_space<vmem_shared>>
      %dma_start3A_69 = arith.constant 0 : i32
      %dma_start3A_70 = tpu.memref_slice %arg12[%add3A_22, %dma_start3A_69] : memref<10240x160xf32, #tpu.memory_space<vmem_shared>> -> memref<80x160xf32, #tpu.memory_space<vmem_shared>>
      tpu.enqueue_dma source(%arg11 : memref<80x160xf32, #tpu.memory_space<vmem>>) target(%dma_start3A_70 : memref<80x160xf32, #tpu.memory_space<vmem_shared>>) target_semaphore(%run_scoped3A : memref<!tpu.dma_semaphore, #tpu.memory_space<semaphore_mem>>)
      %dma_wait3A = arith.constant 0 : i32
      %dma_wait3A_71 = tpu.memref_slice %arg12[%add3A_22, %dma_wait3A] : memref<10240x160xf32, #tpu.memory_space<vmem_shared>> -> memref<80x160xf32, #tpu.memory_space<vmem_shared>>
      %dma_wait3A_72 = arith.constant 0 : i32
      %dma_wait3A_73 = tpu.memref_slice %arg12[%add3A_22, %dma_wait3A_72] : memref<10240x160xf32, #tpu.memory_space<vmem_shared>> -> memref<80x160xf32, #tpu.memory_space<vmem_shared>>
      tpu.wait_dma2 semaphore(%run_scoped3A : memref<!tpu.dma_semaphore, #tpu.memory_space<semaphore_mem>>) src(%arg11 : memref<80x160xf32, #tpu.memory_space<vmem>>) dst(%dma_wait3A_73 : memref<80x160xf32, #tpu.memory_space<vmem_shared>>)
      tpu.yield
    }) : () -> ()
    %mul3A_23 = arith.constant 640 : i32
    %mul3A_24 = arith.muli %arg1, %mul3A_23 : i32
    %add3A_25 = arith.constant 320 : i32
    %add3A_26 = arith.addi %mul3A_24, %add3A_25 : i32
    "tpu.region"() ({
      %run_scoped3A = tpu.sem_alloc : memref<!tpu.dma_semaphore, #tpu.memory_space<semaphore_mem>>
      %dma_start3A = arith.constant 0 : i32
      %dma_start3A_68 = tpu.memref_slice %arg12[%add3A_26, %dma_start3A] : memref<10240x160xf32, #tpu.memory_space<vmem_shared>> -> memref<80x160xf32, #tpu.memory_space<vmem_shared>>
      %dma_start3A_69 = arith.constant 0 : i32
      %dma_start3A_70 = tpu.memref_slice %arg12[%add3A_26, %dma_start3A_69] : memref<10240x160xf32, #tpu.memory_space<vmem_shared>> -> memref<80x160xf32, #tpu.memory_space<vmem_shared>>
      tpu.enqueue_dma source(%arg11 : memref<80x160xf32, #tpu.memory_space<vmem>>) target(%dma_start3A_70 : memref<80x160xf32, #tpu.memory_space<vmem_shared>>) target_semaphore(%run_scoped3A : memref<!tpu.dma_semaphore, #tpu.memory_space<semaphore_mem>>)
      %dma_wait3A = arith.constant 0 : i32
      %dma_wait3A_71 = tpu.memref_slice %arg12[%add3A_26, %dma_wait3A] : memref<10240x160xf32, #tpu.memory_space<vmem_shared>> -> memref<80x160xf32, #tpu.memory_space<vmem_shared>>
      %dma_wait3A_72 = arith.constant 0 : i32
      %dma_wait3A_73 = tpu.memref_slice %arg12[%add3A_26, %dma_wait3A_72] : memref<10240x160xf32, #tpu.memory_space<vmem_shared>> -> memref<80x160xf32, #tpu.memory_space<vmem_shared>>
      tpu.wait_dma2 semaphore(%run_scoped3A : memref<!tpu.dma_semaphore, #tpu.memory_space<semaphore_mem>>) src(%arg11 : memref<80x160xf32, #tpu.memory_space<vmem>>) dst(%dma_wait3A_73 : memref<80x160xf32, #tpu.memory_space<vmem_shared>>)
      tpu.yield
    }) : () -> ()
    %mul3A_27 = arith.constant 640 : i32
    %mul3A_28 = arith.muli %arg1, %mul3A_27 : i32
    %add3A_29 = arith.constant 400 : i32
    %add3A_30 = arith.addi %mul3A_28, %add3A_29 : i32
    "tpu.region"() ({
      %run_scoped3A = tpu.sem_alloc : memref<!tpu.dma_semaphore, #tpu.memory_space<semaphore_mem>>
      %dma_start3A = arith.constant 0 : i32
      %dma_start3A_68 = tpu.memref_slice %arg12[%add3A_30, %dma_start3A] : memref<10240x160xf32, #tpu.memory_space<vmem_shared>> -> memref<80x160xf32, #tpu.memory_space<vmem_shared>>
      %dma_start3A_69 = arith.constant 0 : i32
      %dma_start3A_70 = tpu.memref_slice %arg12[%add3A_30, %dma_start3A_69] : memref<10240x160xf32, #tpu.memory_space<vmem_shared>> -> memref<80x160xf32, #tpu.memory_space<vmem_shared>>
      tpu.enqueue_dma source(%arg11 : memref<80x160xf32, #tpu.memory_space<vmem>>) target(%dma_start3A_70 : memref<80x160xf32, #tpu.memory_space<vmem_shared>>) target_semaphore(%run_scoped3A : memref<!tpu.dma_semaphore, #tpu.memory_space<semaphore_mem>>)
      %dma_wait3A = arith.constant 0 : i32
      %dma_wait3A_71 = tpu.memref_slice %arg12[%add3A_30, %dma_wait3A] : memref<10240x160xf32, #tpu.memory_space<vmem_shared>> -> memref<80x160xf32, #tpu.memory_space<vmem_shared>>
      %dma_wait3A_72 = arith.constant 0 : i32
      %dma_wait3A_73 = tpu.memref_slice %arg12[%add3A_30, %dma_wait3A_72] : memref<10240x160xf32, #tpu.memory_space<vmem_shared>> -> memref<80x160xf32, #tpu.memory_space<vmem_shared>>
      tpu.wait_dma2 semaphore(%run_scoped3A : memref<!tpu.dma_semaphore, #tpu.memory_space<semaphore_mem>>) src(%arg11 : memref<80x160xf32, #tpu.memory_space<vmem>>) dst(%dma_wait3A_73 : memref<80x160xf32, #tpu.memory_space<vmem_shared>>)
      tpu.yield
    }) : () -> ()
    %mul3A_31 = arith.constant 640 : i32
    %mul3A_32 = arith.muli %arg1, %mul3A_31 : i32
    %add3A_33 = arith.constant 480 : i32
    %add3A_34 = arith.addi %mul3A_32, %add3A_33 : i32
    "tpu.region"() ({
      %run_scoped3A = tpu.sem_alloc : memref<!tpu.dma_semaphore, #tpu.memory_space<semaphore_mem>>
      %dma_start3A = arith.constant 0 : i32
      %dma_start3A_68 = tpu.memref_slice %arg12[%add3A_34, %dma_start3A] : memref<10240x160xf32, #tpu.memory_space<vmem_shared>> -> memref<80x160xf32, #tpu.memory_space<vmem_shared>>
      %dma_start3A_69 = arith.constant 0 : i32
      %dma_start3A_70 = tpu.memref_slice %arg12[%add3A_34, %dma_start3A_69] : memref<10240x160xf32, #tpu.memory_space<vmem_shared>> -> memref<80x160xf32, #tpu.memory_space<vmem_shared>>
      tpu.enqueue_dma source(%arg11 : memref<80x160xf32, #tpu.memory_space<vmem>>) target(%dma_start3A_70 : memref<80x160xf32, #tpu.memory_space<vmem_shared>>) target_semaphore(%run_scoped3A : memref<!tpu.dma_semaphore, #tpu.memory_space<semaphore_mem>>)
      %dma_wait3A = arith.constant 0 : i32
      %dma_wait3A_71 = tpu.memref_slice %arg12[%add3A_34, %dma_wait3A] : memref<10240x160xf32, #tpu.memory_space<vmem_shared>> -> memref<80x160xf32, #tpu.memory_space<vmem_shared>>
      %dma_wait3A_72 = arith.constant 0 : i32
      %dma_wait3A_73 = tpu.memref_slice %arg12[%add3A_34, %dma_wait3A_72] : memref<10240x160xf32, #tpu.memory_space<vmem_shared>> -> memref<80x160xf32, #tpu.memory_space<vmem_shared>>
      tpu.wait_dma2 semaphore(%run_scoped3A : memref<!tpu.dma_semaphore, #tpu.memory_space<semaphore_mem>>) src(%arg11 : memref<80x160xf32, #tpu.memory_space<vmem>>) dst(%dma_wait3A_73 : memref<80x160xf32, #tpu.memory_space<vmem_shared>>)
      tpu.yield
    }) : () -> ()
    %mul3A_35 = arith.constant 640 : i32
    %mul3A_36 = arith.muli %arg1, %mul3A_35 : i32
    %add3A_37 = arith.constant 560 : i32
    %add3A_38 = arith.addi %mul3A_36, %add3A_37 : i32
    "tpu.region"() ({
      %run_scoped3A = tpu.sem_alloc : memref<!tpu.dma_semaphore, #tpu.memory_space<semaphore_mem>>
      %dma_start3A = arith.constant 0 : i32
      %dma_start3A_68 = tpu.memref_slice %arg12[%add3A_38, %dma_start3A] : memref<10240x160xf32, #tpu.memory_space<vmem_shared>> -> memref<80x160xf32, #tpu.memory_space<vmem_shared>>
      %dma_start3A_69 = arith.constant 0 : i32
      %dma_start3A_70 = tpu.memref_slice %arg12[%add3A_38, %dma_start3A_69] : memref<10240x160xf32, #tpu.memory_space<vmem_shared>> -> memref<80x160xf32, #tpu.memory_space<vmem_shared>>
      tpu.enqueue_dma source(%arg11 : memref<80x160xf32, #tpu.memory_space<vmem>>) target(%dma_start3A_70 : memref<80x160xf32, #tpu.memory_space<vmem_shared>>) target_semaphore(%run_scoped3A : memref<!tpu.dma_semaphore, #tpu.memory_space<semaphore_mem>>)
      %dma_wait3A = arith.constant 0 : i32
      %dma_wait3A_71 = tpu.memref_slice %arg12[%add3A_38, %dma_wait3A] : memref<10240x160xf32, #tpu.memory_space<vmem_shared>> -> memref<80x160xf32, #tpu.memory_space<vmem_shared>>
      %dma_wait3A_72 = arith.constant 0 : i32
      %dma_wait3A_73 = tpu.memref_slice %arg12[%add3A_38, %dma_wait3A_72] : memref<10240x160xf32, #tpu.memory_space<vmem_shared>> -> memref<80x160xf32, #tpu.memory_space<vmem_shared>>
      tpu.wait_dma2 semaphore(%run_scoped3A : memref<!tpu.dma_semaphore, #tpu.memory_space<semaphore_mem>>) src(%arg11 : memref<80x160xf32, #tpu.memory_space<vmem>>) dst(%dma_wait3A_73 : memref<80x160xf32, #tpu.memory_space<vmem_shared>>)
      tpu.yield
    }) : () -> ()
    %barrier3A = arith.constant 0 : index
    tpu.barrier barrier_id(%barrier3A)
    %mul3A_39 = arith.constant 10000 : i32
    %mul3A_40 = arith.muli %add3A, %mul3A_39 : i32
    %scan3A_41 = arith.constant 0 : i32
    %scan3A_42 = arith.constant 0 : i32
    %scan3A_43 = arith.constant 125 : i32
    %scan3A_44 = arith.addi %scan3A_42, %scan3A_43 : i32
    %scan3A_45 = arith.constant 1 : i32
    scf.for %scan3A_68 = %scan3A_42 to %scan3A_44 step %scan3A_45  : i32 {
      %mul3A_69 = arith.constant 80 : i32
      %mul3A_70 = arith.muli %scan3A_68, %mul3A_69 : i32
      %add3A_71 = arith.addi %mul3A_40, %mul3A_70 : i32
      "tpu.region"() ({
        %run_scoped3A = tpu.sem_alloc : memref<!tpu.dma_semaphore, #tpu.memory_space<semaphore_mem>>
        %dma_start3A_104 = tpu.memref_slice %arg4[%add3A_71] : memref<320000xi32, #tpu.memory_space<hbm>> -> memref<80xi32, #tpu.memory_space<hbm>>
        %dma_start3A_105 = tpu.memref_slice %arg4[%add3A_71] : memref<320000xi32, #tpu.memory_space<hbm>> -> memref<80xi32, #tpu.memory_space<hbm>>
        tpu.enqueue_dma source(%dma_start3A_105 : memref<80xi32, #tpu.memory_space<hbm>>) target(%arg8 : memref<80xi32, #tpu.memory_space<vmem>>) target_semaphore(%run_scoped3A : memref<!tpu.dma_semaphore, #tpu.memory_space<semaphore_mem>>)
        %dma_wait3A_106 = tpu.memref_slice %arg4[%add3A_71] : memref<320000xi32, #tpu.memory_space<hbm>> -> memref<80xi32, #tpu.memory_space<hbm>>
        %dma_wait3A_107 = tpu.memref_slice %arg4[%add3A_71] : memref<320000xi32, #tpu.memory_space<hbm>> -> memref<80xi32, #tpu.memory_space<hbm>>
        tpu.wait_dma2 semaphore(%run_scoped3A : memref<!tpu.dma_semaphore, #tpu.memory_space<semaphore_mem>>) src(%dma_wait3A_107 : memref<80xi32, #tpu.memory_space<hbm>>) dst(%arg8 : memref<80xi32, #tpu.memory_space<vmem>>)
        tpu.yield
      }) : () -> ()
      "tpu.region"() ({
        %run_scoped3A = tpu.sem_alloc : memref<!tpu.dma_semaphore, #tpu.memory_space<semaphore_mem>>
        %dma_start3A_104 = tpu.memref_slice %arg5[%add3A_71] : memref<320000xi32, #tpu.memory_space<hbm>> -> memref<80xi32, #tpu.memory_space<hbm>>
        %dma_start3A_105 = tpu.memref_slice %arg5[%add3A_71] : memref<320000xi32, #tpu.memory_space<hbm>> -> memref<80xi32, #tpu.memory_space<hbm>>
        tpu.enqueue_dma source(%dma_start3A_105 : memref<80xi32, #tpu.memory_space<hbm>>) target(%arg9 : memref<80xi32, #tpu.memory_space<vmem>>) target_semaphore(%run_scoped3A : memref<!tpu.dma_semaphore, #tpu.memory_space<semaphore_mem>>)
        %dma_wait3A_106 = tpu.memref_slice %arg5[%add3A_71] : memref<320000xi32, #tpu.memory_space<hbm>> -> memref<80xi32, #tpu.memory_space<hbm>>
        %dma_wait3A_107 = tpu.memref_slice %arg5[%add3A_71] : memref<320000xi32, #tpu.memory_space<hbm>> -> memref<80xi32, #tpu.memory_space<hbm>>
        tpu.wait_dma2 semaphore(%run_scoped3A : memref<!tpu.dma_semaphore, #tpu.memory_space<semaphore_mem>>) src(%dma_wait3A_107 : memref<80xi32, #tpu.memory_space<hbm>>) dst(%arg9 : memref<80xi32, #tpu.memory_space<vmem>>)
        tpu.yield
      }) : () -> ()
      %dma_start3A = arith.constant 0 : i32
      %dma_start3A_72 = arith.constant 0 : i32
      %dma_start3A_73 = tpu.memref_slice %arg2[%dma_start3A, %dma_start3A_72] : memref<10000x160xf32, #tpu.memory_space<hbm>> -> memref<10000x160xf32, #tpu.memory_space<hbm>>
      tpu.enqueue_indirect_dma source(%dma_start3A_73 : memref<10000x160xf32, #tpu.memory_space<hbm>>) target(%arg11 : memref<80x160xf32, #tpu.memory_space<vmem>>) offsets(%arg8 : memref<80xi32, #tpu.memory_space<vmem>>) semaphore(%arg13 : memref<!tpu.dma_semaphore, #tpu.memory_space<semaphore_mem>>)
      %get3A = arith.constant 0 : index
      %get3A_74 = tpu.vector_load %arg9[%get3A] {strides = array<i32>} : memref<80xi32, #tpu.memory_space<vmem>>, vector<16xi32>,
      %gather3A = tpu.vector_load_idx %arg7[%get3A_74] : memref<10000xf32, #tpu.memory_space<vmem>>[vector<16xi32>], vector<16xf32>,
      %swap3A = arith.constant 0 : index
      %swap3A_75 = tpu.vector_load %arg10[%swap3A] {strides = array<i32>} : memref<96xf32, #tpu.memory_space<vmem>>, vector<16xf32>,
      tpu.vector_store %arg10[%swap3A], %gather3A {strides = array<i32>} : memref<96xf32, #tpu.memory_space<vmem>>, vector<16xf32>,
      %get3A_76 = arith.constant 16 : index
      %get3A_77 = tpu.vector_load %arg9[%get3A_76] {strides = array<i32>} : memref<80xi32, #tpu.memory_space<vmem>>, vector<16xi32>,
      %gather3A_78 = tpu.vector_load_idx %arg7[%get3A_77] : memref<10000xf32, #tpu.memory_space<vmem>>[vector<16xi32>], vector<16xf32>,
      %swap3A_79 = arith.constant 16 : index
      %swap3A_80 = tpu.vector_load %arg10[%swap3A_79] {strides = array<i32>} : memref<96xf32, #tpu.memory_space<vmem>>, vector<16xf32>,
      tpu.vector_store %arg10[%swap3A_79], %gather3A_78 {strides = array<i32>} : memref<96xf32, #tpu.memory_space<vmem>>, vector<16xf32>,
      %get3A_81 = arith.constant 32 : index
      %get3A_82 = tpu.vector_load %arg9[%get3A_81] {strides = array<i32>} : memref<80xi32, #tpu.memory_space<vmem>>, vector<16xi32>,
      %gather3A_83 = tpu.vector_load_idx %arg7[%get3A_82] : memref<10000xf32, #tpu.memory_space<vmem>>[vector<16xi32>], vector<16xf32>,
      %swap3A_84 = arith.constant 32 : index
      %swap3A_85 = tpu.vector_load %arg10[%swap3A_84] {strides = array<i32>} : memref<96xf32, #tpu.memory_space<vmem>>, vector<16xf32>,
      tpu.vector_store %arg10[%swap3A_84], %gather3A_83 {strides = array<i32>} : memref<96xf32, #tpu.memory_space<vmem>>, vector<16xf32>,
      %get3A_86 = arith.constant 48 : index
      %get3A_87 = tpu.vector_load %arg9[%get3A_86] {strides = array<i32>} : memref<80xi32, #tpu.memory_space<vmem>>, vector<16xi32>,
      %gather3A_88 = tpu.vector_load_idx %arg7[%get3A_87] : memref<10000xf32, #tpu.memory_space<vmem>>[vector<16xi32>], vector<16xf32>,
      %swap3A_89 = arith.constant 48 : index
      %swap3A_90 = tpu.vector_load %arg10[%swap3A_89] {strides = array<i32>} : memref<96xf32, #tpu.memory_space<vmem>>, vector<16xf32>,
      tpu.vector_store %arg10[%swap3A_89], %gather3A_88 {strides = array<i32>} : memref<96xf32, #tpu.memory_space<vmem>>, vector<16xf32>,
      %get3A_91 = arith.constant 64 : index
      %get3A_92 = tpu.vector_load %arg9[%get3A_91] {strides = array<i32>} : memref<80xi32, #tpu.memory_space<vmem>>, vector<16xi32>,
      %gather3A_93 = tpu.vector_load_idx %arg7[%get3A_92] : memref<10000xf32, #tpu.memory_space<vmem>>[vector<16xi32>], vector<16xf32>,
      %swap3A_94 = arith.constant 64 : index
      %swap3A_95 = tpu.vector_load %arg10[%swap3A_94] {strides = array<i32>} : memref<96xf32, #tpu.memory_space<vmem>>, vector<16xf32>,
      tpu.vector_store %arg10[%swap3A_94], %gather3A_93 {strides = array<i32>} : memref<96xf32, #tpu.memory_space<vmem>>, vector<16xf32>,
      %dma_wait3A = arith.constant 0 : i32
      %dma_wait3A_96 = arith.constant 0 : i32
      %dma_wait3A_97 = tpu.memref_slice %arg2[%dma_wait3A, %dma_wait3A_96] : memref<10000x160xf32, #tpu.memory_space<hbm>> -> memref<10000x160xf32, #tpu.memory_space<hbm>>
      tpu.wait_indirect_dma semaphore(%arg13 : memref<!tpu.dma_semaphore, #tpu.memory_space<semaphore_mem>>) src(%dma_wait3A_97 : memref<10000x160xf32, #tpu.memory_space<hbm>>) dst(%arg11 : memref<80x160xf32, #tpu.memory_space<vmem>>)
      %scan3A_98 = arith.constant 0 : i32
      %scan3A_99 = arith.constant 0 : i32
      %scan3A_100 = arith.constant 80 : i32
      %scan3A_101 = arith.addi %scan3A_99, %scan3A_100 : i32
      %scan3A_102 = arith.constant 1 : i32
      scf.for %scan3A_104 = %scan3A_99 to %scan3A_101 step %scan3A_102  : i32 {
        %get3A_105 = arith.index_cast %scan3A_104 : i32 to index
        %get3A_106 = arith.constant 144 : index
        %get3A_107 = tpu.vector_load %arg11[%get3A_105, %get3A_106] {strides = array<i32>} : memref<80x160xf32, #tpu.memory_space<vmem>>, vector<16xf32>,
        %get3A_108 = arith.index_cast %scan3A_104 : i32 to index
        %get3A_109 = tpu.vector_load %arg10[%get3A_108] {strides = array<i32>} : memref<96xf32, #tpu.memory_space<vmem>>, vector<16xf32>,
        %slice3A = vector.extract_strided_slice %get3A_107 {offsets = [1], sizes = [1], strides = [1]} : vector<16xf32> to vector<1xf32>
        %squeeze3A = vector.extract %slice3A[0] : f32 from vector<1xf32>
        %slice3A_110 = vector.extract_strided_slice %get3A_109 {offsets = [0], sizes = [1], strides = [1]} : vector<16xf32> to vector<1xf32>
        %squeeze3A_111 = vector.extract %slice3A_110[0] : f32 from vector<1xf32>
        %add3A_112 = arith.addf %squeeze3A, %squeeze3A_111 : f32
        %ge3A = arith.constant 0.000000e+00 : f32
        %ge3A_113 = arith.cmpf oge, %add3A_112, %ge3A : f32
        %mul3A_114 = arith.constant 2.000000e-01 : f32
        %mul3A_115 = arith.mulf %mul3A_114, %add3A_112 : f32
        %select_n3A = arith.select %ge3A_113, %add3A_112, %mul3A_115 : f32
        %ge3A_116 = arith.constant 0.000000e+00 : f32
        %ge3A_117 = arith.cmpf oge, %squeeze3A_111, %ge3A_116 : f32
        %mul3A_118 = arith.constant 2.000000e-01 : f32
        %mul3A_119 = arith.mulf %mul3A_118, %squeeze3A_111 : f32
        %select_n3A_120 = arith.select %ge3A_117, %squeeze3A_111, %mul3A_119 : f32
        %sub3A = arith.subf %select_n3A, %select_n3A_120 : f32
        %broadcast_in_dim3A_121 = vector.broadcast %sub3A : f32 to vector<16xf32>
        %exp3A = math.exp %broadcast_in_dim3A_121 : vector<16xf32>
        %get3A_122 = arith.index_cast %scan3A_104 : i32 to index
        %get3A_123 = arith.constant 0 : index
        %get3A_124 = tpu.vector_load %arg11[%get3A_122, %get3A_123] {strides = array<i32>} : memref<80x160xf32, #tpu.memory_space<vmem>>, vector<16xf32>,
        %mul3A_125 = arith.mulf %get3A_124, %exp3A : vector<16xf32>
        %swap3A_126 = arith.index_cast %scan3A_104 : i32 to index
        %swap3A_127 = arith.constant 0 : index
        %swap3A_128 = tpu.vector_load %arg11[%swap3A_126, %swap3A_127] {strides = array<i32>} : memref<80x160xf32, #tpu.memory_space<vmem>>, vector<16xf32>,
        tpu.vector_store %arg11[%swap3A_126, %swap3A_127], %mul3A_125 {strides = array<i32>} : memref<80x160xf32, #tpu.memory_space<vmem>>, vector<16xf32>,
        %get3A_129 = arith.index_cast %scan3A_104 : i32 to index
        %get3A_130 = arith.constant 16 : index
        %get3A_131 = tpu.vector_load %arg11[%get3A_129, %get3A_130] {strides = array<i32>} : memref<80x160xf32, #tpu.memory_space<vmem>>, vector<16xf32>,
        %mul3A_132 = arith.mulf %get3A_131, %exp3A : vector<16xf32>
        %swap3A_133 = arith.index_cast %scan3A_104 : i32 to index
        %swap3A_134 = arith.constant 16 : index
        %swap3A_135 = tpu.vector_load %arg11[%swap3A_133, %swap3A_134] {strides = array<i32>} : memref<80x160xf32, #tpu.memory_space<vmem>>, vector<16xf32>,
        tpu.vector_store %arg11[%swap3A_133, %swap3A_134], %mul3A_132 {strides = array<i32>} : memref<80x160xf32, #tpu.memory_space<vmem>>, vector<16xf32>,
        %get3A_136 = arith.index_cast %scan3A_104 : i32 to index
        %get3A_137 = arith.constant 32 : index
        %get3A_138 = tpu.vector_load %arg11[%get3A_136, %get3A_137] {strides = array<i32>} : memref<80x160xf32, #tpu.memory_space<vmem>>, vector<16xf32>,
        %mul3A_139 = arith.mulf %get3A_138, %exp3A : vector<16xf32>
        %swap3A_140 = arith.index_cast %scan3A_104 : i32 to index
        %swap3A_141 = arith.constant 32 : index
        %swap3A_142 = tpu.vector_load %arg11[%swap3A_140, %swap3A_141] {strides = array<i32>} : memref<80x160xf32, #tpu.memory_space<vmem>>, vector<16xf32>,
        tpu.vector_store %arg11[%swap3A_140, %swap3A_141], %mul3A_139 {strides = array<i32>} : memref<80x160xf32, #tpu.memory_space<vmem>>, vector<16xf32>,
        %get3A_143 = arith.index_cast %scan3A_104 : i32 to index
        %get3A_144 = arith.constant 48 : index
        %get3A_145 = tpu.vector_load %arg11[%get3A_143, %get3A_144] {strides = array<i32>} : memref<80x160xf32, #tpu.memory_space<vmem>>, vector<16xf32>,
        %mul3A_146 = arith.mulf %get3A_145, %exp3A : vector<16xf32>
        %swap3A_147 = arith.index_cast %scan3A_104 : i32 to index
        %swap3A_148 = arith.constant 48 : index
        %swap3A_149 = tpu.vector_load %arg11[%swap3A_147, %swap3A_148] {strides = array<i32>} : memref<80x160xf32, #tpu.memory_space<vmem>>, vector<16xf32>,
        tpu.vector_store %arg11[%swap3A_147, %swap3A_148], %mul3A_146 {strides = array<i32>} : memref<80x160xf32, #tpu.memory_space<vmem>>, vector<16xf32>,
        %get3A_150 = arith.index_cast %scan3A_104 : i32 to index
        %get3A_151 = arith.constant 64 : index
        %get3A_152 = tpu.vector_load %arg11[%get3A_150, %get3A_151] {strides = array<i32>} : memref<80x160xf32, #tpu.memory_space<vmem>>, vector<16xf32>,
        %mul3A_153 = arith.mulf %get3A_152, %exp3A : vector<16xf32>
        %swap3A_154 = arith.index_cast %scan3A_104 : i32 to index
        %swap3A_155 = arith.constant 64 : index
        %swap3A_156 = tpu.vector_load %arg11[%swap3A_154, %swap3A_155] {strides = array<i32>} : memref<80x160xf32, #tpu.memory_space<vmem>>, vector<16xf32>,
        tpu.vector_store %arg11[%swap3A_154, %swap3A_155], %mul3A_153 {strides = array<i32>} : memref<80x160xf32, #tpu.memory_space<vmem>>, vector<16xf32>,
        %get3A_157 = arith.index_cast %scan3A_104 : i32 to index
        %get3A_158 = arith.constant 80 : index
        %get3A_159 = tpu.vector_load %arg11[%get3A_157, %get3A_158] {strides = array<i32>} : memref<80x160xf32, #tpu.memory_space<vmem>>, vector<16xf32>,
        %mul3A_160 = arith.mulf %get3A_159, %exp3A : vector<16xf32>
        %swap3A_161 = arith.index_cast %scan3A_104 : i32 to index
        %swap3A_162 = arith.constant 80 : index
        %swap3A_163 = tpu.vector_load %arg11[%swap3A_161, %swap3A_162] {strides = array<i32>} : memref<80x160xf32, #tpu.memory_space<vmem>>, vector<16xf32>,
        tpu.vector_store %arg11[%swap3A_161, %swap3A_162], %mul3A_160 {strides = array<i32>} : memref<80x160xf32, #tpu.memory_space<vmem>>, vector<16xf32>,
        %get3A_164 = arith.index_cast %scan3A_104 : i32 to index
        %get3A_165 = arith.constant 96 : index
        %get3A_166 = tpu.vector_load %arg11[%get3A_164, %get3A_165] {strides = array<i32>} : memref<80x160xf32, #tpu.memory_space<vmem>>, vector<16xf32>,
        %mul3A_167 = arith.mulf %get3A_166, %exp3A : vector<16xf32>
        %swap3A_168 = arith.index_cast %scan3A_104 : i32 to index
        %swap3A_169 = arith.constant 96 : index
        %swap3A_170 = tpu.vector_load %arg11[%swap3A_168, %swap3A_169] {strides = array<i32>} : memref<80x160xf32, #tpu.memory_space<vmem>>, vector<16xf32>,
        tpu.vector_store %arg11[%swap3A_168, %swap3A_169], %mul3A_167 {strides = array<i32>} : memref<80x160xf32, #tpu.memory_space<vmem>>, vector<16xf32>,
        %get3A_171 = arith.index_cast %scan3A_104 : i32 to index
        %get3A_172 = arith.constant 112 : index
        %get3A_173 = tpu.vector_load %arg11[%get3A_171, %get3A_172] {strides = array<i32>} : memref<80x160xf32, #tpu.memory_space<vmem>>, vector<16xf32>,
        %mul3A_174 = arith.mulf %get3A_173, %exp3A : vector<16xf32>
        %swap3A_175 = arith.index_cast %scan3A_104 : i32 to index
        %swap3A_176 = arith.constant 112 : index
        %swap3A_177 = tpu.vector_load %arg11[%swap3A_175, %swap3A_176] {strides = array<i32>} : memref<80x160xf32, #tpu.memory_space<vmem>>, vector<16xf32>,
        tpu.vector_store %arg11[%swap3A_175, %swap3A_176], %mul3A_174 {strides = array<i32>} : memref<80x160xf32, #tpu.memory_space<vmem>>, vector<16xf32>,
        %get3A_178 = arith.index_cast %scan3A_104 : i32 to index
        %get3A_179 = arith.constant 128 : index
        %get3A_180 = tpu.vector_load %arg11[%get3A_178, %get3A_179] {strides = array<i32>} : memref<80x160xf32, #tpu.memory_space<vmem>>, vector<16xf32>,
        %mul3A_181 = arith.mulf %get3A_180, %exp3A : vector<16xf32>
        %swap3A_182 = arith.index_cast %scan3A_104 : i32 to index
        %swap3A_183 = arith.constant 128 : index
        %swap3A_184 = tpu.vector_load %arg11[%swap3A_182, %swap3A_183] {strides = array<i32>} : memref<80x160xf32, #tpu.memory_space<vmem>>, vector<16xf32>,
        tpu.vector_store %arg11[%swap3A_182, %swap3A_183], %mul3A_181 {strides = array<i32>} : memref<80x160xf32, #tpu.memory_space<vmem>>, vector<16xf32>,
      }
      %scan3A_103 = arith.constant 80 : i32
      "tpu.region"() ({
        %run_scoped3A = tpu.sem_alloc : memref<!tpu.dma_semaphore, #tpu.memory_space<semaphore_mem>>
        %dma_start3A_104 = arith.constant 0 : i32
        %dma_start3A_105 = arith.constant 0 : i32
        %dma_start3A_106 = tpu.memref_slice %arg12[%dma_start3A_104, %dma_start3A_105] : memref<10240x160xf32, #tpu.memory_space<vmem_shared>> -> memref<10240x160xf32, #tpu.memory_space<vmem_shared>>
        tpu.enqueue_indirect_dma source(%arg11 : memref<80x160xf32, #tpu.memory_space<vmem>>) target(%dma_start3A_106 : memref<10240x160xf32, #tpu.memory_space<vmem_shared>>) offsets(%arg9 : memref<80xi32, #tpu.memory_space<vmem>>) semaphore(%run_scoped3A : memref<!tpu.dma_semaphore, #tpu.memory_space<semaphore_mem>>) {add = true}
        %dma_wait3A_107 = arith.constant 0 : i32
        %dma_wait3A_108 = arith.constant 0 : i32
        %dma_wait3A_109 = tpu.memref_slice %arg12[%dma_wait3A_107, %dma_wait3A_108] : memref<10240x160xf32, #tpu.memory_space<vmem_shared>> -> memref<10240x160xf32, #tpu.memory_space<vmem_shared>>
        tpu.wait_indirect_dma semaphore(%run_scoped3A : memref<!tpu.dma_semaphore, #tpu.memory_space<semaphore_mem>>) src(%arg11 : memref<80x160xf32, #tpu.memory_space<vmem>>) dst(%dma_wait3A_109 : memref<10240x160xf32, #tpu.memory_space<vmem_shared>>)
        tpu.yield
      }) : () -> ()
    }
    %scan3A_46 = arith.constant 125 : i32
    %barrier3A_47 = arith.constant 0 : index
    tpu.barrier barrier_id(%barrier3A_47)
    %mul3A_48 = arith.constant 640 : i32
    %mul3A_49 = arith.muli %arg1, %mul3A_48 : i32
    %add3A_50 = arith.constant 0 : i32
    %add3A_51 = arith.addi %mul3A_49, %add3A_50 : i32
    "tpu.region"() ({
      %run_scoped3A = tpu.sem_alloc : memref<!tpu.dma_semaphore, #tpu.memory_space<semaphore_mem>>
      %dma_start3A = arith.constant 0 : i32
      %dma_start3A_68 = tpu.memref_slice %arg6[%arg0, %add3A_51, %dma_start3A] : memref<2x10240x160xf32, #tpu.memory_space<hbm>> -> memref<1x128x160xf32, #tpu.memory_space<hbm>>
      %dma_start3A_69 = tpu.memref_squeeze %dma_start3A_68 : memref<1x128x160xf32, #tpu.memory_space<hbm>> -> memref<128x160xf32, #tpu.memory_space<hbm>>
      %dma_start3A_70 = arith.constant 0 : i32
      %dma_start3A_71 = tpu.memref_slice %arg12[%add3A_51, %dma_start3A_70] : memref<10240x160xf32, #tpu.memory_space<vmem_shared>> -> memref<128x160xf32, #tpu.memory_space<vmem_shared>>
      tpu.enqueue_dma source(%dma_start3A_71 : memref<128x160xf32, #tpu.memory_space<vmem_shared>>) target(%dma_start3A_69 : memref<128x160xf32, #tpu.memory_space<hbm>>) target_semaphore(%run_scoped3A : memref<!tpu.dma_semaphore, #tpu.memory_space<semaphore_mem>>)
      %dma_wait3A = arith.constant 0 : i32
      %dma_wait3A_72 = tpu.memref_slice %arg6[%arg0, %add3A_51, %dma_wait3A] : memref<2x10240x160xf32, #tpu.memory_space<hbm>> -> memref<1x128x160xf32, #tpu.memory_space<hbm>>
      %dma_wait3A_73 = tpu.memref_squeeze %dma_wait3A_72 : memref<1x128x160xf32, #tpu.memory_space<hbm>> -> memref<128x160xf32, #tpu.memory_space<hbm>>
      %dma_wait3A_74 = arith.constant 0 : i32
      %dma_wait3A_75 = tpu.memref_slice %arg12[%add3A_51, %dma_wait3A_74] : memref<10240x160xf32, #tpu.memory_space<vmem_shared>> -> memref<128x160xf32, #tpu.memory_space<vmem_shared>>
      tpu.wait_dma2 semaphore(%run_scoped3A : memref<!tpu.dma_semaphore, #tpu.memory_space<semaphore_mem>>) src(%dma_wait3A_75 : memref<128x160xf32, #tpu.memory_space<vmem_shared>>) dst(%dma_wait3A_73 : memref<128x160xf32, #tpu.memory_space<hbm>>)
      tpu.yield
    }) : () -> ()
    %mul3A_52 = arith.constant 640 : i32
    %mul3A_53 = arith.muli %arg1, %mul3A_52 : i32
    %add3A_54 = arith.constant 128 : i32
    %add3A_55 = arith.addi %mul3A_53, %add3A_54 : i32
    "tpu.region"() ({
      %run_scoped3A = tpu.sem_alloc : memref<!tpu.dma_semaphore, #tpu.memory_space<semaphore_mem>>
      %dma_start3A = arith.constant 0 : i32
      %dma_start3A_68 = tpu.memref_slice %arg6[%arg0, %add3A_55, %dma_start3A] : memref<2x10240x160xf32, #tpu.memory_space<hbm>> -> memref<1x128x160xf32, #tpu.memory_space<hbm>>
      %dma_start3A_69 = tpu.memref_squeeze %dma_start3A_68 : memref<1x128x160xf32, #tpu.memory_space<hbm>> -> memref<128x160xf32, #tpu.memory_space<hbm>>
      %dma_start3A_70 = arith.constant 0 : i32
      %dma_start3A_71 = tpu.memref_slice %arg12[%add3A_55, %dma_start3A_70] : memref<10240x160xf32, #tpu.memory_space<vmem_shared>> -> memref<128x160xf32, #tpu.memory_space<vmem_shared>>
      tpu.enqueue_dma source(%dma_start3A_71 : memref<128x160xf32, #tpu.memory_space<vmem_shared>>) target(%dma_start3A_69 : memref<128x160xf32, #tpu.memory_space<hbm>>) target_semaphore(%run_scoped3A : memref<!tpu.dma_semaphore, #tpu.memory_space<semaphore_mem>>)
      %dma_wait3A = arith.constant 0 : i32
      %dma_wait3A_72 = tpu.memref_slice %arg6[%arg0, %add3A_55, %dma_wait3A] : memref<2x10240x160xf32, #tpu.memory_space<hbm>> -> memref<1x128x160xf32, #tpu.memory_space<hbm>>
      %dma_wait3A_73 = tpu.memref_squeeze %dma_wait3A_72 : memref<1x128x160xf32, #tpu.memory_space<hbm>> -> memref<128x160xf32, #tpu.memory_space<hbm>>
      %dma_wait3A_74 = arith.constant 0 : i32
      %dma_wait3A_75 = tpu.memref_slice %arg12[%add3A_55, %dma_wait3A_74] : memref<10240x160xf32, #tpu.memory_space<vmem_shared>> -> memref<128x160xf32, #tpu.memory_space<vmem_shared>>
      tpu.wait_dma2 semaphore(%run_scoped3A : memref<!tpu.dma_semaphore, #tpu.memory_space<semaphore_mem>>) src(%dma_wait3A_75 : memref<128x160xf32, #tpu.memory_space<vmem_shared>>) dst(%dma_wait3A_73 : memref<128x160xf32, #tpu.memory_space<hbm>>)
      tpu.yield
    }) : () -> ()
    %mul3A_56 = arith.constant 640 : i32
    %mul3A_57 = arith.muli %arg1, %mul3A_56 : i32
    %add3A_58 = arith.constant 256 : i32
    %add3A_59 = arith.addi %mul3A_57, %add3A_58 : i32
    "tpu.region"() ({
      %run_scoped3A = tpu.sem_alloc : memref<!tpu.dma_semaphore, #tpu.memory_space<semaphore_mem>>
      %dma_start3A = arith.constant 0 : i32
      %dma_start3A_68 = tpu.memref_slice %arg6[%arg0, %add3A_59, %dma_start3A] : memref<2x10240x160xf32, #tpu.memory_space<hbm>> -> memref<1x128x160xf32, #tpu.memory_space<hbm>>
      %dma_start3A_69 = tpu.memref_squeeze %dma_start3A_68 : memref<1x128x160xf32, #tpu.memory_space<hbm>> -> memref<128x160xf32, #tpu.memory_space<hbm>>
      %dma_start3A_70 = arith.constant 0 : i32
      %dma_start3A_71 = tpu.memref_slice %arg12[%add3A_59, %dma_start3A_70] : memref<10240x160xf32, #tpu.memory_space<vmem_shared>> -> memref<128x160xf32, #tpu.memory_space<vmem_shared>>
      tpu.enqueue_dma source(%dma_start3A_71 : memref<128x160xf32, #tpu.memory_space<vmem_shared>>) target(%dma_start3A_69 : memref<128x160xf32, #tpu.memory_space<hbm>>) target_semaphore(%run_scoped3A : memref<!tpu.dma_semaphore, #tpu.memory_space<semaphore_mem>>)
      %dma_wait3A = arith.constant 0 : i32
      %dma_wait3A_72 = tpu.memref_slice %arg6[%arg0, %add3A_59, %dma_wait3A] : memref<2x10240x160xf32, #tpu.memory_space<hbm>> -> memref<1x128x160xf32, #tpu.memory_space<hbm>>
      %dma_wait3A_73 = tpu.memref_squeeze %dma_wait3A_72 : memref<1x128x160xf32, #tpu.memory_space<hbm>> -> memref<128x160xf32, #tpu.memory_space<hbm>>
      %dma_wait3A_74 = arith.constant 0 : i32
      %dma_wait3A_75 = tpu.memref_slice %arg12[%add3A_59, %dma_wait3A_74] : memref<10240x160xf32, #tpu.memory_space<vmem_shared>> -> memref<128x160xf32, #tpu.memory_space<vmem_shared>>
      tpu.wait_dma2 semaphore(%run_scoped3A : memref<!tpu.dma_semaphore, #tpu.memory_space<semaphore_mem>>) src(%dma_wait3A_75 : memref<128x160xf32, #tpu.memory_space<vmem_shared>>) dst(%dma_wait3A_73 : memref<128x160xf32, #tpu.memory_space<hbm>>)
      tpu.yield
    }) : () -> ()
    %mul3A_60 = arith.constant 640 : i32
    %mul3A_61 = arith.muli %arg1, %mul3A_60 : i32
    %add3A_62 = arith.constant 384 : i32
    %add3A_63 = arith.addi %mul3A_61, %add3A_62 : i32
    "tpu.region"() ({
      %run_scoped3A = tpu.sem_alloc : memref<!tpu.dma_semaphore, #tpu.memory_space<semaphore_mem>>
      %dma_start3A = arith.constant 0 : i32
      %dma_start3A_68 = tpu.memref_slice %arg6[%arg0, %add3A_63, %dma_start3A] : memref<2x10240x160xf32, #tpu.memory_space<hbm>> -> memref<1x128x160xf32, #tpu.memory_space<hbm>>
      %dma_start3A_69 = tpu.memref_squeeze %dma_start3A_68 : memref<1x128x160xf32, #tpu.memory_space<hbm>> -> memref<128x160xf32, #tpu.memory_space<hbm>>
      %dma_start3A_70 = arith.constant 0 : i32
      %dma_start3A_71 = tpu.memref_slice %arg12[%add3A_63, %dma_start3A_70] : memref<10240x160xf32, #tpu.memory_space<vmem_shared>> -> memref<128x160xf32, #tpu.memory_space<vmem_shared>>
      tpu.enqueue_dma source(%dma_start3A_71 : memref<128x160xf32, #tpu.memory_space<vmem_shared>>) target(%dma_start3A_69 : memref<128x160xf32, #tpu.memory_space<hbm>>) target_semaphore(%run_scoped3A : memref<!tpu.dma_semaphore, #tpu.memory_space<semaphore_mem>>)
      %dma_wait3A = arith.constant 0 : i32
      %dma_wait3A_72 = tpu.memref_slice %arg6[%arg0, %add3A_63, %dma_wait3A] : memref<2x10240x160xf32, #tpu.memory_space<hbm>> -> memref<1x128x160xf32, #tpu.memory_space<hbm>>
      %dma_wait3A_73 = tpu.memref_squeeze %dma_wait3A_72 : memref<1x128x160xf32, #tpu.memory_space<hbm>> -> memref<128x160xf32, #tpu.memory_space<hbm>>
      %dma_wait3A_74 = arith.constant 0 : i32
      %dma_wait3A_75 = tpu.memref_slice %arg12[%add3A_63, %dma_wait3A_74] : memref<10240x160xf32, #tpu.memory_space<vmem_shared>> -> memref<128x160xf32, #tpu.memory_space<vmem_shared>>
      tpu.wait_dma2 semaphore(%run_scoped3A : memref<!tpu.dma_semaphore, #tpu.memory_space<semaphore_mem>>) src(%dma_wait3A_75 : memref<128x160xf32, #tpu.memory_space<vmem_shared>>) dst(%dma_wait3A_73 : memref<128x160xf32, #tpu.memory_space<hbm>>)
      tpu.yield
    }) : () -> ()
    %mul3A_64 = arith.constant 640 : i32
    %mul3A_65 = arith.muli %arg1, %mul3A_64 : i32
    %add3A_66 = arith.constant 512 : i32
    %add3A_67 = arith.addi %mul3A_65, %add3A_66 : i32
    "tpu.region"() ({
      %run_scoped3A = tpu.sem_alloc : memref<!tpu.dma_semaphore, #tpu.memory_space<semaphore_mem>>
      %dma_start3A = arith.constant 0 : i32
      %dma_start3A_68 = tpu.memref_slice %arg6[%arg0, %add3A_67, %dma_start3A] : memref<2x10240x160xf32, #tpu.memory_space<hbm>> -> memref<1x128x160xf32, #tpu.memory_space<hbm>>
      %dma_start3A_69 = tpu.memref_squeeze %dma_start3A_68 : memref<1x128x160xf32, #tpu.memory_space<hbm>> -> memref<128x160xf32, #tpu.memory_space<hbm>>
      %dma_start3A_70 = arith.constant 0 : i32
      %dma_start3A_71 = tpu.memref_slice %arg12[%add3A_67, %dma_start3A_70] : memref<10240x160xf32, #tpu.memory_space<vmem_shared>> -> memref<128x160xf32, #tpu.memory_space<vmem_shared>>
      tpu.enqueue_dma source(%dma_start3A_71 : memref<128x160xf32, #tpu.memory_space<vmem_shared>>) target(%dma_start3A_69 : memref<128x160xf32, #tpu.memory_space<hbm>>) target_semaphore(%run_scoped3A : memref<!tpu.dma_semaphore, #tpu.memory_space<semaphore_mem>>)
      %dma_wait3A = arith.constant 0 : i32
      %dma_wait3A_72 = tpu.memref_slice %arg6[%arg0, %add3A_67, %dma_wait3A] : memref<2x10240x160xf32, #tpu.memory_space<hbm>> -> memref<1x128x160xf32, #tpu.memory_space<hbm>>
      %dma_wait3A_73 = tpu.memref_squeeze %dma_wait3A_72 : memref<1x128x160xf32, #tpu.memory_space<hbm>> -> memref<128x160xf32, #tpu.memory_space<hbm>>
      %dma_wait3A_74 = arith.constant 0 : i32
      %dma_wait3A_75 = tpu.memref_slice %arg12[%add3A_67, %dma_wait3A_74] : memref<10240x160xf32, #tpu.memory_space<vmem_shared>> -> memref<128x160xf32, #tpu.memory_space<vmem_shared>>
      tpu.wait_dma2 semaphore(%run_scoped3A : memref<!tpu.dma_semaphore, #tpu.memory_space<semaphore_mem>>) src(%dma_wait3A_75 : memref<128x160xf32, #tpu.memory_space<vmem_shared>>) dst(%dma_wait3A_73 : memref<128x160xf32, #tpu.memory_space<hbm>>)
      tpu.yield
    }) : () -> ()
    return
  }
}

module attributes {stable_mosaic.version = 14 : i64} {
  func.func @_prologue_body(%arg0: memref<10000x128xf32, #tpu.memory_space<vmem>>, %arg1: memref<10000x16xf32, #tpu.memory_space<vmem>>, %arg2: memref<1x128xf32, #tpu.memory_space<vmem>>, %arg3: memref<1x128xf32, #tpu.memory_space<vmem>>, %arg4: memref<10000x160xf32, #tpu.memory_space<vmem>>, %arg5: memref<10000x1xf32, #tpu.memory_space<vmem>>, %arg6: memref<10000x1xf32, #tpu.memory_space<vmem>>, %arg7: memref<10000x1xi32, #tpu.memory_space<vmem>>) attributes {dimension_semantics = [], scalar_prefetch = 0 : i64, scratch_operands = 0 : i64, tpu.core_type = #tpu.core_type<tc>} {
    %get3A = arith.constant 0 : index
    %get3A_0 = arith.constant 0 : index
    %get3A_1 = vector.load %arg0[%get3A, %get3A_0] : memref<10000x128xf32, #tpu.memory_space<vmem>>, vector<10000x128xf32>
    %get3A_2 = arith.constant 0 : index
    %get3A_3 = arith.constant 0 : index
    %get3A_4 = vector.load %arg2[%get3A_2, %get3A_3] : memref<1x128xf32, #tpu.memory_space<vmem>>, vector<1x128xf32>
    %mul3A = vector.broadcast %get3A_4 : vector<1x128xf32> to vector<10000x128xf32>
    %mul3A_5 = arith.mulf %get3A_1, %mul3A : vector<10000x128xf32>
    %reduce_sum3A = arith.constant dense<0.000000e+00> : vector<10000xf32>
    %reduce_sum3A_6 = vector.multi_reduction <add>, %mul3A_5, %reduce_sum3A [1] : vector<10000x128xf32> to vector<10000xf32>
    %broadcast_in_dim3A = vector.shape_cast %reduce_sum3A_6 : vector<10000xf32> to vector<10000x1xf32>
    %swap3A = arith.constant 0 : index
    %swap3A_7 = arith.constant 0 : index
    %swap3A_8 = vector.load %arg5[%swap3A, %swap3A_7] : memref<10000x1xf32, #tpu.memory_space<vmem>>, vector<10000x1xf32>
    tpu.vector_store %arg5[%swap3A, %swap3A_7], %broadcast_in_dim3A {strides = array<i32>} : memref<10000x1xf32, #tpu.memory_space<vmem>>, vector<10000x1xf32>,
    %get3A_9 = arith.constant 0 : index
    %get3A_10 = arith.constant 0 : index
    %get3A_11 = vector.load %arg3[%get3A_9, %get3A_10] : memref<1x128xf32, #tpu.memory_space<vmem>>, vector<1x128xf32>
    %mul3A_12 = vector.broadcast %get3A_11 : vector<1x128xf32> to vector<10000x128xf32>
    %mul3A_13 = arith.mulf %get3A_1, %mul3A_12 : vector<10000x128xf32>
    %reduce_sum3A_14 = arith.constant dense<0.000000e+00> : vector<10000xf32>
    %reduce_sum3A_15 = vector.multi_reduction <add>, %mul3A_13, %reduce_sum3A_14 [1] : vector<10000x128xf32> to vector<10000xf32>
    %broadcast_in_dim3A_16 = vector.shape_cast %reduce_sum3A_15 : vector<10000xf32> to vector<10000x1xf32>
    %swap3A_17 = arith.constant 0 : index
    %swap3A_18 = arith.constant 0 : index
    %swap3A_19 = vector.load %arg6[%swap3A_17, %swap3A_18] : memref<10000x1xf32, #tpu.memory_space<vmem>>, vector<10000x1xf32>
    tpu.vector_store %arg6[%swap3A_17, %swap3A_18], %broadcast_in_dim3A_16 {strides = array<i32>} : memref<10000x1xf32, #tpu.memory_space<vmem>>, vector<10000x1xf32>,
    %get3A_20 = arith.constant 0 : index
    %get3A_21 = arith.constant 0 : index
    %get3A_22 = vector.load %arg1[%get3A_20, %get3A_21] : memref<10000x16xf32, #tpu.memory_space<vmem>>, vector<10000x16xf32>
    %argmax3A = tpu.reduce_index %get3A_22 {axis = 1 : i32, kind = #tpu.reduction_kind<arg_max>} : vector<10000x16xf32> -> vector<10000xi32>
    %broadcast_in_dim3A_23 = vector.shape_cast %argmax3A : vector<10000xi32> to vector<10000x1xi32>
    %swap3A_24 = arith.constant 0 : index
    %swap3A_25 = arith.constant 0 : index
    %swap3A_26 = vector.load %arg7[%swap3A_24, %swap3A_25] : memref<10000x1xi32, #tpu.memory_space<vmem>>, vector<10000x1xi32>
    tpu.vector_store %arg7[%swap3A_24, %swap3A_25], %broadcast_in_dim3A_23 {strides = array<i32>} : memref<10000x1xi32, #tpu.memory_space<vmem>>, vector<10000x1xi32>,
    %iota3A = tpu.iota {dimensions = array<i32: 1>} : vector<10000x16xi32>
    %broadcast_in_dim3A_27 = vector.shape_cast %argmax3A : vector<10000xi32> to vector<10000x1xi32>
    %eq3A = vector.broadcast %broadcast_in_dim3A_27 : vector<10000x1xi32> to vector<10000x16xi32>
    %eq3A_28 = arith.cmpi eq, %iota3A, %eq3A : vector<10000x16xi32>
    %convert_element_type3A = arith.extui %eq3A_28 : vector<10000x16xi1> to vector<10000x16xi32>
    %convert_element_type3A_29 = arith.sitofp %convert_element_type3A : vector<10000x16xi32> to vector<10000x16xf32>
    %broadcast_in_dim3A_30 = arith.constant 1.000000e+00 : f32
    %broadcast_in_dim3A_31 = vector.broadcast %broadcast_in_dim3A_30 : f32 to vector<10000x1xf32>
    %get3A_32 = arith.constant 0 : index
    %get3A_33 = arith.constant 0 : index
    %get3A_34 = vector.load %arg5[%get3A_32, %get3A_33] : memref<10000x1xf32, #tpu.memory_space<vmem>>, vector<10000x1xf32>
    %broadcast_in_dim3A_35 = arith.constant 0.000000e+00 : f32
    %broadcast_in_dim3A_36 = vector.broadcast %broadcast_in_dim3A_35 : f32 to vector<10000x14xf32>
    %concatenate3A = tpu.concatenate %get3A_1, %convert_element_type3A_29, %broadcast_in_dim3A_31, %get3A_34, %broadcast_in_dim3A_36 in 1 : vector<10000x128xf32>, vector<10000x16xf32>, vector<10000x1xf32>, vector<10000x1xf32>, vector<10000x14xf32> -> vector<10000x160xf32>
    %swap3A_37 = arith.constant 0 : index
    %swap3A_38 = arith.constant 0 : index
    %swap3A_39 = vector.load %arg4[%swap3A_37, %swap3A_38] : memref<10000x160xf32, #tpu.memory_space<vmem>>, vector<10000x160xf32>
    tpu.vector_store %arg4[%swap3A_37, %swap3A_38], %concatenate3A {strides = array<i32>} : memref<10000x160xf32, #tpu.memory_space<vmem>>, vector<10000x160xf32>,
    return
  }
}

module attributes {stable_mosaic.version = 14 : i64} {
  func.func @_stats_body(%arg0: memref<2x17x10000xf32, #tpu.memory_space<vmem>>, %arg1: memref<1x10000xi32, #tpu.memory_space<vmem>>, %arg2: memref<1x10000xf32, #tpu.memory_space<vmem>>, %arg3: memref<1x1xf32, #tpu.memory_space<vmem>>, %arg4: memref<1x1xf32, #tpu.memory_space<vmem>>, %arg5: memref<1x10000xf32, #tpu.memory_space<vmem>>, %arg6: memref<1x10000xf32, #tpu.memory_space<vmem>>) attributes {dimension_semantics = [], scalar_prefetch = 0 : i64, scratch_operands = 0 : i64, tpu.core_type = #tpu.core_type<tc>} {
    %get3A = arith.constant 0 : index
    %get3A_0 = arith.constant 0 : index
    %get3A_1 = arith.constant 0 : index
    %get3A_2 = vector.load %arg0[%get3A, %get3A_0, %get3A_1] : memref<2x17x10000xf32, #tpu.memory_space<vmem>>, vector<1x17x10000xf32>
    %get3A_3 = vector.shape_cast %get3A_2 : vector<1x17x10000xf32> to vector<17x10000xf32>
    %get3A_4 = arith.constant 1 : index
    %get3A_5 = arith.constant 0 : index
    %get3A_6 = arith.constant 0 : index
    %get3A_7 = vector.load %arg0[%get3A_4, %get3A_5, %get3A_6] : memref<2x17x10000xf32, #tpu.memory_space<vmem>>, vector<1x17x10000xf32>
    %get3A_8 = vector.shape_cast %get3A_7 : vector<1x17x10000xf32> to vector<17x10000xf32>
    %add3A = arith.addf %get3A_3, %get3A_8 : vector<17x10000xf32>
    %slice3A = vector.extract_strided_slice %add3A {offsets = [0, 0], sizes = [16, 10000], strides = [1, 1]} : vector<17x10000xf32> to vector<16x10000xf32>
    %slice3A_9 = vector.extract_strided_slice %add3A {offsets = [16, 0], sizes = [1, 10000], strides = [1, 1]} : vector<17x10000xf32> to vector<1x10000xf32>
    %max3A = arith.constant 1.000000e+00 : f32
    %max3A_10 = vector.broadcast %max3A : f32 to vector<1x10000xf32>
    %max3A_11 = arith.maximumf %slice3A_9, %max3A_10 : vector<1x10000xf32>
    %reduce_sum3A = arith.constant dense<0.000000e+00> : vector<10000xf32>
    %reduce_sum3A_12 = vector.multi_reduction <add>, %slice3A, %reduce_sum3A [0] : vector<16x10000xf32> to vector<10000xf32>
    %broadcast_in_dim3A = vector.shape_cast %reduce_sum3A_12 : vector<10000xf32> to vector<1x10000xf32>
    %max3A_13 = arith.constant 1.000000e-16 : f32
    %max3A_14 = vector.broadcast %max3A_13 : f32 to vector<1x10000xf32>
    %max3A_15 = arith.maximumf %broadcast_in_dim3A, %max3A_14 : vector<1x10000xf32>
    %div3A = vector.broadcast %max3A_15 : vector<1x10000xf32> to vector<16x10000xf32>
    %div3A_16 = arith.divf %slice3A, %div3A : vector<16x10000xf32>
    %div3A_17 = vector.broadcast %max3A_11 : vector<1x10000xf32> to vector<16x10000xf32>
    %div3A_18 = arith.divf %div3A_16, %div3A_17 : vector<16x10000xf32>
    %get3A_19 = arith.constant 0 : index
    %get3A_20 = arith.constant 0 : index
    %get3A_21 = vector.load %arg1[%get3A_19, %get3A_20] : memref<1x10000xi32, #tpu.memory_space<vmem>>, vector<1x10000xi32>
    %iota3A = tpu.iota {dimensions = array<i32: 0>} : vector<16x10000xi32>
    %eq3A = vector.broadcast %get3A_21 : vector<1x10000xi32> to vector<16x10000xi32>
    %eq3A_22 = arith.cmpi eq, %iota3A, %eq3A : vector<16x10000xi32>
    %jit3A = arith.constant 0.000000e+00 : f32
    %broadcast_in_dim3A_23 = vector.broadcast %jit3A : f32 to vector<16x10000xf32>
    %select_n3A = arith.select %eq3A_22, %div3A_18, %broadcast_in_dim3A_23 : vector<16x10000xi1>, vector<16x10000xf32>
    %reduce_sum3A_24 = arith.constant dense<0.000000e+00> : vector<10000xf32>
    %reduce_sum3A_25 = vector.multi_reduction <add>, %select_n3A, %reduce_sum3A_24 [0] : vector<16x10000xf32> to vector<10000xf32>
    %broadcast_in_dim3A_26 = vector.shape_cast %reduce_sum3A_25 : vector<10000xf32> to vector<1x10000xf32>
    %reduce_sum3A_27 = arith.constant dense<0.000000e+00> : vector<16xf32>
    %reduce_sum3A_28 = vector.multi_reduction <add>, %slice3A, %reduce_sum3A_27 [1] : vector<16x10000xf32> to vector<16xf32>
    %broadcast_in_dim3A_29 = vector.shape_cast %reduce_sum3A_28 : vector<16xf32> to vector<16x1xf32>
    %gt3A = arith.constant 0.000000e+00 : f32
    %gt3A_30 = vector.broadcast %gt3A : f32 to vector<16x1xf32>
    %gt3A_31 = arith.cmpf ogt, %broadcast_in_dim3A_29, %gt3A_30 : vector<16x1xf32>
    %max3A_32 = arith.constant 9.99999974E-6 : f32
    %max3A_33 = vector.broadcast %max3A_32 : f32 to vector<16x10000xf32>
    %max3A_34 = arith.maximumf %div3A_18, %max3A_33 : vector<16x10000xf32>
    %log3A = math.log %max3A_34 : vector<16x10000xf32>
    %mul3A = arith.mulf %max3A_34, %log3A : vector<16x10000xf32>
    %jit3A_35 = arith.constant 0.000000e+00 : f32
    %broadcast_in_dim3A_36 = vector.shape_cast %gt3A_31 : vector<16x1xi1> to vector<16x1xi1>
    %broadcast_in_dim3A_37 = vector.broadcast %broadcast_in_dim3A_36 : vector<16x1xi1> to vector<16x10000xi1>
    %broadcast_in_dim3A_38 = vector.broadcast %jit3A_35 : f32 to vector<16x10000xf32>
    %select_n3A_39 = arith.select %broadcast_in_dim3A_37, %mul3A, %broadcast_in_dim3A_38 : vector<16x10000xi1>, vector<16x10000xf32>
    %reduce_sum3A_40 = arith.constant dense<0.000000e+00> : vector<10000xf32>
    %reduce_sum3A_41 = vector.multi_reduction <add>, %select_n3A_39, %reduce_sum3A_40 [0] : vector<16x10000xf32> to vector<10000xf32>
    %broadcast_in_dim3A_42 = vector.shape_cast %reduce_sum3A_41 : vector<10000xf32> to vector<1x10000xf32>
    %neg3A = arith.constant 0.000000e+00 : f32
    %neg3A_43 = vector.broadcast %neg3A : f32 to vector<1x10000xf32>
    %neg3A_44 = arith.subf %neg3A_43, %broadcast_in_dim3A_42 : vector<1x10000xf32>
    %reduce_sum3A_45 = vector.shape_cast %broadcast_in_dim3A_26 : vector<1x10000xf32> to vector<1x1x10000xf32>
    %reduce_sum3A_46 = arith.constant dense<0.000000e+00> : vector<1xf32>
    %reduce_sum3A_47 = vector.multi_reduction <add>, %reduce_sum3A_45, %reduce_sum3A_46 [1, 2] : vector<1x1x10000xf32> to vector<1xf32>
    %reduce_sum3A_48 = vector.shape_cast %reduce_sum3A_47 : vector<1xf32> to vector<1x1x1xf32>
    %reduce_sum3A_49 = vector.extract %reduce_sum3A_48[0, 0, 0] : f32 from vector<1x1x1xf32>
    %div3A_50 = arith.constant 1.000000e+04 : f32
    %div3A_51 = arith.divf %reduce_sum3A_49, %div3A_50 : f32
    %sub3A = vector.broadcast %div3A_51 : f32 to vector<1x10000xf32>
    %sub3A_52 = arith.subf %broadcast_in_dim3A_26, %sub3A : vector<1x10000xf32>
    %integer_pow3A = arith.mulf %sub3A_52, %sub3A_52 : vector<1x10000xf32>
    %reduce_sum3A_53 = vector.shape_cast %integer_pow3A : vector<1x10000xf32> to vector<1x1x10000xf32>
    %reduce_sum3A_54 = arith.constant dense<0.000000e+00> : vector<1xf32>
    %reduce_sum3A_55 = vector.multi_reduction <add>, %reduce_sum3A_53, %reduce_sum3A_54 [1, 2] : vector<1x1x10000xf32> to vector<1xf32>
    %reduce_sum3A_56 = vector.shape_cast %reduce_sum3A_55 : vector<1xf32> to vector<1x1x1xf32>
    %reduce_sum3A_57 = vector.extract %reduce_sum3A_56[0, 0, 0] : f32 from vector<1x1x1xf32>
    %div3A_58 = arith.constant 1.000000e+04 : f32
    %div3A_59 = arith.divf %reduce_sum3A_57, %div3A_58 : f32
    %sub3A_60 = vector.broadcast %div3A_51 : f32 to vector<1x10000xf32>
    %sub3A_61 = arith.subf %broadcast_in_dim3A_26, %sub3A_60 : vector<1x10000xf32>
    %add3A_62 = arith.constant 9.99999974E-6 : f32
    %add3A_63 = arith.addf %div3A_59, %add3A_62 : f32
    %sqrt3A = math.sqrt %add3A_63 : f32
    %div3A_64 = vector.broadcast %sqrt3A : f32 to vector<1x10000xf32>
    %div3A_65 = arith.divf %sub3A_61, %div3A_64 : vector<1x10000xf32>
    %get3A_66 = arith.constant 0 : index
    %get3A_67 = arith.constant 0 : index
    %get3A_68 = vector.load %arg3[%get3A_66, %get3A_67] : memref<1x1xf32, #tpu.memory_space<vmem>>, vector<1x1xf32>
    %get3A_69 = vector.extract %get3A_68[0, 0] : f32 from vector<1x1xf32>
    %sub3A_70 = vector.broadcast %get3A_69 : f32 to vector<1x10000xf32>
    %sub3A_71 = arith.subf %div3A_65, %sub3A_70 : vector<1x10000xf32>
    %neg3A_72 = arith.constant 0.000000e+00 : f32
    %neg3A_73 = vector.broadcast %neg3A_72 : f32 to vector<1x10000xf32>
    %neg3A_74 = arith.subf %neg3A_73, %sub3A_71 : vector<1x10000xf32>
    %neg3A_75 = arith.constant 0.000000e+00 : f32
    %neg3A_76 = vector.broadcast %neg3A_75 : f32 to vector<1x10000xf32>
    %neg3A_77 = arith.subf %neg3A_76, %neg3A_74 : vector<1x10000xf32>
    %exp3A = math.exp %neg3A_77 : vector<1x10000xf32>
    %add3A_78 = arith.constant 1.000000e+00 : f32
    %add3A_79 = vector.broadcast %add3A_78 : f32 to vector<1x10000xf32>
    %add3A_80 = arith.addf %add3A_79, %exp3A : vector<1x10000xf32>
    %div3A_81 = arith.constant 1.000000e+00 : f32
    %div3A_82 = vector.broadcast %div3A_81 : f32 to vector<1x10000xf32>
    %div3A_83 = arith.divf %div3A_82, %add3A_80 : vector<1x10000xf32>
    %reduce_sum3A_84 = vector.shape_cast %neg3A_44 : vector<1x10000xf32> to vector<1x1x10000xf32>
    %reduce_sum3A_85 = arith.constant dense<0.000000e+00> : vector<1xf32>
    %reduce_sum3A_86 = vector.multi_reduction <add>, %reduce_sum3A_84, %reduce_sum3A_85 [1, 2] : vector<1x1x10000xf32> to vector<1xf32>
    %reduce_sum3A_87 = vector.shape_cast %reduce_sum3A_86 : vector<1xf32> to vector<1x1x1xf32>
    %reduce_sum3A_88 = vector.extract %reduce_sum3A_87[0, 0, 0] : f32 from vector<1x1x1xf32>
    %div3A_89 = arith.constant 1.000000e+04 : f32
    %div3A_90 = arith.divf %reduce_sum3A_88, %div3A_89 : f32
    %sub3A_91 = vector.broadcast %div3A_90 : f32 to vector<1x10000xf32>
    %sub3A_92 = arith.subf %neg3A_44, %sub3A_91 : vector<1x10000xf32>
    %integer_pow3A_93 = arith.mulf %sub3A_92, %sub3A_92 : vector<1x10000xf32>
    %reduce_sum3A_94 = vector.shape_cast %integer_pow3A_93 : vector<1x10000xf32> to vector<1x1x10000xf32>
    %reduce_sum3A_95 = arith.constant dense<0.000000e+00> : vector<1xf32>
    %reduce_sum3A_96 = vector.multi_reduction <add>, %reduce_sum3A_94, %reduce_sum3A_95 [1, 2] : vector<1x1x10000xf32> to vector<1xf32>
    %reduce_sum3A_97 = vector.shape_cast %reduce_sum3A_96 : vector<1xf32> to vector<1x1x1xf32>
    %reduce_sum3A_98 = vector.extract %reduce_sum3A_97[0, 0, 0] : f32 from vector<1x1x1xf32>
    %div3A_99 = arith.constant 1.000000e+04 : f32
    %div3A_100 = arith.divf %reduce_sum3A_98, %div3A_99 : f32
    %sub3A_101 = vector.broadcast %div3A_90 : f32 to vector<1x10000xf32>
    %sub3A_102 = arith.subf %neg3A_44, %sub3A_101 : vector<1x10000xf32>
    %add3A_103 = arith.constant 9.99999974E-6 : f32
    %add3A_104 = arith.addf %div3A_100, %add3A_103 : f32
    %sqrt3A_105 = math.sqrt %add3A_104 : f32
    %div3A_106 = vector.broadcast %sqrt3A_105 : f32 to vector<1x10000xf32>
    %div3A_107 = arith.divf %sub3A_102, %div3A_106 : vector<1x10000xf32>
    %get3A_108 = arith.constant 0 : index
    %get3A_109 = arith.constant 0 : index
    %get3A_110 = vector.load %arg4[%get3A_108, %get3A_109] : memref<1x1xf32, #tpu.memory_space<vmem>>, vector<1x1xf32>
    %get3A_111 = vector.extract %get3A_110[0, 0] : f32 from vector<1x1xf32>
    %sub3A_112 = vector.broadcast %get3A_111 : f32 to vector<1x10000xf32>
    %sub3A_113 = arith.subf %div3A_107, %sub3A_112 : vector<1x10000xf32>
    %neg3A_114 = arith.constant 0.000000e+00 : f32
    %neg3A_115 = vector.broadcast %neg3A_114 : f32 to vector<1x10000xf32>
    %neg3A_116 = arith.subf %neg3A_115, %sub3A_113 : vector<1x10000xf32>
    %neg3A_117 = arith.constant 0.000000e+00 : f32
    %neg3A_118 = vector.broadcast %neg3A_117 : f32 to vector<1x10000xf32>
    %neg3A_119 = arith.subf %neg3A_118, %neg3A_116 : vector<1x10000xf32>
    %exp3A_120 = math.exp %neg3A_119 : vector<1x10000xf32>
    %add3A_121 = arith.constant 1.000000e+00 : f32
    %add3A_122 = vector.broadcast %add3A_121 : f32 to vector<1x10000xf32>
    %add3A_123 = arith.addf %add3A_122, %exp3A_120 : vector<1x10000xf32>
    %div3A_124 = arith.constant 1.000000e+00 : f32
    %div3A_125 = vector.broadcast %div3A_124 : f32 to vector<1x10000xf32>
    %div3A_126 = arith.divf %div3A_125, %add3A_123 : vector<1x10000xf32>
    %mul3A_127 = arith.mulf %div3A_83, %div3A_126 : vector<1x10000xf32>
    %swap3A = arith.constant 0 : index
    %swap3A_128 = arith.constant 0 : index
    %swap3A_129 = vector.load %arg5[%swap3A, %swap3A_128] : memref<1x10000xf32, #tpu.memory_space<vmem>>, vector<1x10000xf32>
    tpu.vector_store %arg5[%swap3A, %swap3A_128], %mul3A_127 {strides = array<i32>} : memref<1x10000xf32, #tpu.memory_space<vmem>>, vector<1x10000xf32>,
    %get3A_130 = arith.constant 0 : index
    %get3A_131 = arith.constant 0 : index
    %get3A_132 = vector.load %arg2[%get3A_130, %get3A_131] : memref<1x10000xf32, #tpu.memory_space<vmem>>, vector<1x10000xf32>
    %min3A = arith.minimumf %get3A_132, %mul3A_127 : vector<1x10000xf32>
    %rsqrt3A = math.rsqrt %max3A_11 : vector<1x10000xf32>
    %mul3A_133 = arith.mulf %min3A, %rsqrt3A : vector<1x10000xf32>
    %div3A_134 = arith.divf %mul3A_133, %max3A_15 : vector<1x10000xf32>
    %swap3A_135 = arith.constant 0 : index
    %swap3A_136 = arith.constant 0 : index
    %swap3A_137 = vector.load %arg6[%swap3A_135, %swap3A_136] : memref<1x10000xf32, #tpu.memory_space<vmem>>, vector<1x10000xf32>
    tpu.vector_store %arg6[%swap3A_135, %swap3A_136], %div3A_134 {strides = array<i32>} : memref<1x10000xf32, #tpu.memory_space<vmem>>, vector<1x10000xf32>,
    return
  }
}

module attributes {stable_mosaic.version = 14 : i64} {
  func.func @_update_body(%arg0: memref<10000x128xf32, #tpu.memory_space<vmem>>, %arg1: memref<2x10000x128xf32, #tpu.memory_space<vmem>>, %arg2: memref<1x10000xf32, #tpu.memory_space<vmem>>, %arg3: memref<1x10000xf32, #tpu.memory_space<vmem>>, %arg4: memref<10000x128xf32, #tpu.memory_space<vmem>>, %arg5: memref<10000x1xf32, #tpu.memory_space<vmem>>) attributes {dimension_semantics = [], scalar_prefetch = 0 : i64, scratch_operands = 0 : i64, tpu.core_type = #tpu.core_type<tc>} {
    %get3A = arith.constant 0 : index
    %get3A_0 = arith.constant 0 : index
    %get3A_1 = vector.load %arg3[%get3A, %get3A_0] : memref<1x10000xf32, #tpu.memory_space<vmem>>, vector<1x10000xf32>
    %transpose3A = tpu.transpose %get3A_1, [1, 0] : vector<1x10000xf32> -> vector<10000x1xf32>
    %get3A_2 = arith.constant 0 : index
    %get3A_3 = arith.constant 0 : index
    %get3A_4 = vector.load %arg0[%get3A_2, %get3A_3] : memref<10000x128xf32, #tpu.memory_space<vmem>>, vector<10000x128xf32>
    %get3A_5 = arith.constant 0 : index
    %get3A_6 = arith.constant 0 : index
    %get3A_7 = arith.constant 0 : index
    %get3A_8 = vector.load %arg1[%get3A_5, %get3A_6, %get3A_7] : memref<2x10000x128xf32, #tpu.memory_space<vmem>>, vector<1x10000x128xf32>
    %get3A_9 = vector.shape_cast %get3A_8 : vector<1x10000x128xf32> to vector<10000x128xf32>
    %get3A_10 = arith.constant 1 : index
    %get3A_11 = arith.constant 0 : index
    %get3A_12 = arith.constant 0 : index
    %get3A_13 = vector.load %arg1[%get3A_10, %get3A_11, %get3A_12] : memref<2x10000x128xf32, #tpu.memory_space<vmem>>, vector<1x10000x128xf32>
    %get3A_14 = vector.shape_cast %get3A_13 : vector<1x10000x128xf32> to vector<10000x128xf32>
    %add3A = arith.addf %get3A_9, %get3A_14 : vector<10000x128xf32>
    %mul3A = vector.broadcast %transpose3A : vector<10000x1xf32> to vector<10000x128xf32>
    %mul3A_15 = arith.mulf %mul3A, %add3A : vector<10000x128xf32>
    %add3A_16 = arith.addf %get3A_4, %mul3A_15 : vector<10000x128xf32>
    %swap3A = arith.constant 0 : index
    %swap3A_17 = arith.constant 0 : index
    %swap3A_18 = vector.load %arg4[%swap3A, %swap3A_17] : memref<10000x128xf32, #tpu.memory_space<vmem>>, vector<10000x128xf32>
    tpu.vector_store %arg4[%swap3A, %swap3A_17], %add3A_16 {strides = array<i32>} : memref<10000x128xf32, #tpu.memory_space<vmem>>, vector<10000x128xf32>,
    %get3A_19 = arith.constant 0 : index
    %get3A_20 = arith.constant 0 : index
    %get3A_21 = vector.load %arg2[%get3A_19, %get3A_20] : memref<1x10000xf32, #tpu.memory_space<vmem>>, vector<1x10000xf32>
    %transpose3A_22 = tpu.transpose %get3A_21, [1, 0] : vector<1x10000xf32> -> vector<10000x1xf32>
    %swap3A_23 = arith.constant 0 : index
    %swap3A_24 = arith.constant 0 : index
    %swap3A_25 = vector.load %arg5[%swap3A_23, %swap3A_24] : memref<10000x1xf32, #tpu.memory_space<vmem>>, vector<10000x1xf32>
    tpu.vector_store %arg5[%swap3A_23, %swap3A_24], %transpose3A_22 {strides = array<i32>} : memref<10000x1xf32, #tpu.memory_space<vmem>>, vector<10000x1xf32>,
    return
  }
}

</mosaic_0001>

<sc_bundles>
// kernel: kernel.6.cloned.1.call-start
scs
__scs_entry_jumppad:
0x0: {  	(pc) =	sbr.rel $0x88, $3  }
0x1: {  	(tag) =	ssettag $0x0;
	lr =	simm.s32 $0x1  }
0x2: {  	[smem:$0x3F99] =	sst lr;
	_ =	strace $0xD0000000  }
0x3: {  	_ = 	snop  }
0x4: {  	_ = 	snop  }
0x5: {  	_ = 	snop  }
0x6: {  	_ = 	snop  }
0x7: {  	_ = 	snop  }
__scs_overlays_trampoline_lowered:
0x8: {  	[smem:$0x3FA8] =	sst s0  }
0x9: {  	[smem:$0x3FA9] =	sst s1  }
0xa: {  	[smem:$0x3FAA] =	sst s2  }
0xb: {  	[smem:$0x3FAB] =	sst s3  }
0xc: {  	[smem:$0x3FAC] =	sst s4  }
0xd: {  	[smem:$0x3FAD] =	sst s5  }
0xe: {  	[smem:$0x3FAE] =	sst s6  }
0xf: {  	[smem:$0x3FAF] =	sst s7  }
0x10: {  	[smem:$0x3FB0] =	sst s8  }
0x11: {  	[smem:$0x3FB1] =	sst s9;
	s0 =	simm.s32 @!p0 $0x0  }
0x12: {  	s1 =	sld [smem:$0x3F97];
	s0 =	simm.s32 @p0 $0x1  }
0x13: {  	[smem:$0x3FB2] =	sst s0;
	s0 =	simm.s32 @!p1 $0x0  }
0x14: {  	s2 =	sld [smem:$0x3F96];
	s0 =	simm.s32 @p1 $0x1  }
0x15: {  	[smem:$0x3FB3] =	sst s0;
	s0 =	simm.s32 @!p2 $0x0  }
0x16: {  	s3 =	sld [smem:$0x3FDB];
	s0 =	simm.s32 @p2 $0x1  }
0x17: {  	s4 =	simm.s32 $0x1BF5;
	[smem:$0x3FB5] =	sst s0  }
0x18: {  	s0 =	sld [smem:$0x3F98];
	_ =	swait.ge [sflag:s4], $0x0  }
0x19: {  	s7 =	sld [smem:$0x3F99]  }
0x1a: {  	s8 =	sadd.s32 $0xFFFFE003, lr  }
0x1b: {  	s9 =	sadd.s32 $0xFFFFFEF7, lr;
	s5 =	simm.s32 $0xFFFFFFFF;
	p2 =	slt.u32 s8, $0xFFFFF086  }
0x1c: {  	p1 =	slt.u32 s9, $0xF7A;
	s5 =	simm.s32 @!p2 $0x0  }
0x1d: {  	s5 =	simm.s32 @p1 $0x1;
	p0 =	seq.s32 s7, s2  }
0x1e: {  	s7 =	smul.u32 @!p0 $0xF7A, s2;
	p2 =	seq.s32 @!p0 s5, $0x0  }
0x1f: {  	s9 =	smul.u32 $0xF7A, s1;
	s8 =	simm.s32 @!p0 $0x1BF5;
	p2 =	por !p2, p0  }
0x20: {  	[sflag:s8] =	ssyncset.s32 @!p0 $0xFFFFF086;
	s6 =	sadd.s32 @!p0 s3, s7;
	s7 =	simm.s32 @!p0 $0x108  }
0x21: {  	s3 =	sadd.s32 s3, s9;
	s6 =	sadd.s32 @!p0 $0x88, s6;
	s7 =	simm.s32 @p2 $0x1082  }
0x22: {  	[simem:s7], [sflag:s8] =	dma.local @!p0 [hbm:s6], $0xF7A  }
0x23: {  	s9 =	sor.u32 $0xD0000000, s2;
	s6 =	simm.s32 $0x108;
	_ =	swait.ge @!p0 [sflag:s8], $0x0  }
0x24: {  	s3 =	sadd.s32 $0x88, s3;
	s6 =	simm.s32 @!p1 $0x1082;
	[sflag:s4] =	ssyncset.s32 $0xFFFFF086  }
0x25: {  	[simem:s6], [sflag:s4] =	dma.local [hbm:s3], $0xF7A  }
0x26: {  	[smem:$0x3F99] =	sst s1;
	(tag) =	ssettag s2;
	_ =	strace s9  }
0x27: {  	s1 =	sld [smem:$0x3FA9]  }
0x28: {  	s2 =	sld [smem:$0x3FAA]  }
0x29: {  	s4 =	sld [smem:$0x3FAC]  }
0x2a: {  	p0 =	seq.s32 s5, $0x0;
	s5 =	sld [smem:$0x3FAD]  }
0x2b: {  	s6 =	sld [smem:$0x3FAE]  }
0x2c: {  	s7 =	sld [smem:$0x3FAF]  }
0x2d: {  	s3 =	simm.s32 $0x108;
	s8 =	sld [smem:$0x3FB0]  }
0x2e: {  	s3 =	simm.s32 @!p0 $0x1082;
	s9 =	sld [smem:$0x3FB1]  }
0x2f: {  	lr =	sadd.s32 s0, s3;
	s0 =	sld [smem:$0x3FA8]  }
0x30: {  	s3 =	sld [smem:$0x3FAB]  }
0x31: {  	[smem:$0x3FB4] =	sst s10  }
0x32: {  	s10 =	sld [smem:$0x3FB2];
	_ =	sdelay $0x3  }
0x33: {  	p0 =	seq.s32 s10, $0x1;
	s10 =	sld [smem:$0x3FB4];
	_ =	sdelay $0x3  }
0x34: {  	[smem:$0x3FB4] =	sst s10  }
0x35: {  	s10 =	sld [smem:$0x3FB3];
	_ =	sdelay $0x3  }
0x36: {  	p1 =	seq.s32 s10, $0x1;
	s10 =	sld [smem:$0x3FB4];
	_ =	sdelay $0x3  }
0x37: {  	[smem:$0x3FB4] =	sst s10  }
0x38: {  	s10 =	sld [smem:$0x3FB5]  }
0x39: {  	_ = 	snop;
	(pc) =	sbr.ind lr, $3  }
0x3a: {  	_ = 	snop  }
0x3b: {  	_ = 	snop  }
0x3c: {  	p2 =	seq.s32 s10, $0x1;
	s10 =	sld [smem:$0x3FB4]  }
0x3d: {  	_ =	shalt  }
0x3e: {  	_ =	shalt  }
0x3f: {  	_ =	shalt  }
0x40: {  	_ =	shalt  }
0x41: {  	_ =	shalt  }
0x42: {  	_ =	shalt  }
0x43: {  	_ =	shalt  }
0x44: {  	_ =	shalt  }
0x45: {  	_ =	shalt  }
0x46: {  	_ =	shalt  }
0x47: {  	_ =	shalt  }
0x48: {  	_ =	shalt  }
0x49: {  	_ =	shalt  }
0x4a: {  	_ =	shalt  }
0x4b: {  	_ =	shalt  }
0x4c: {  	_ =	shalt  }
0x4d: {  	_ =	shalt  }
0x4e: {  	_ =	shalt  }
0x4f: {  	_ =	shalt  }
0x50: {  	_ =	shalt  }
0x51: {  	_ =	shalt  }
0x52: {  	_ =	shalt  }
0x53: {  	_ =	shalt  }
0x54: {  	_ =	shalt  }
0x55: {  	_ =	shalt  }
0x56: {  	_ =	shalt  }
0x57: {  	_ =	shalt  }
0x58: {  	_ =	shalt  }
0x59: {  	_ =	shalt  }
0x5a: {  	_ =	shalt  }
0x5b: {  	_ =	shalt  }
0x5c: {  	_ =	shalt  }
0x5d: {  	_ =	shalt  }
0x5e: {  	_ =	shalt  }
0x5f: {  	_ =	shalt  }
0x60: {  	_ =	shalt  }
0x61: {  	_ =	shalt  }
0x62: {  	_ =	shalt  }
0x63: {  	_ =	shalt  }
0x64: {  	_ =	shalt  }
0x65: {  	_ =	shalt  }
0x66: {  	_ =	shalt  }
0x67: {  	_ =	shalt  }
0x68: {  	_ =	shalt  }
0x69: {  	_ =	shalt  }
0x6a: {  	_ =	shalt  }
0x6b: {  	_ =	shalt  }
0x6c: {  	_ =	shalt  }
0x6d: {  	_ =	shalt  }
0x6e: {  	_ =	shalt  }
0x6f: {  	_ =	shalt  }
0x70: {  	_ =	shalt  }
0x71: {  	_ =	shalt  }
0x72: {  	_ =	shalt  }
0x73: {  	_ =	shalt  }
0x74: {  	_ =	shalt  }
0x75: {  	_ =	shalt  }
0x76: {  	_ =	shalt  }
0x77: {  	_ =	shalt  }
0x78: {  	_ =	shalt  }
0x79: {  	_ =	shalt  }
0x7a: {  	_ =	shalt  }
0x7b: {  	_ =	shalt  }
0x7c: {  	_ =	shalt  }
0x7d: {  	_ =	shalt  }
0x7e: {  	_ =	shalt  }
0x7f: {  	_ =	shalt  }
0x80: {  	_ =	shalt  }
0x81: {  	_ =	shalt  }
0x82: {  	_ =	shalt  }
0x83: {  	_ =	shalt  }
0x84: {  	_ =	shalt  }
0x85: {  	_ =	shalt  }
0x86: {  	_ =	shalt  }
0x87: {  	_ =	shalt  }
.Lfunc_end0:
.L_simem_size_0:
called_computation_lowered:
.L_overlay_start_0:
0x88: {  	s2 =	sld [smem:$0x3FD9]  }
0x89: {  	s3 =	sld [smem:$0x3FFE];
	_ =	sdelay $0x1  }
0x8a: {  	s1 =	srdreg.scid  }
0x8b: {  	s0 =	sand.u32 $0x1, s1  }
0x8c: {  	s14 =	sshll.u32 s0, $0xA;
	s2 =	sadd.s32 s3, s2  }
0x8d: {  	s2 =	sadd.s32 s2, s14  }
0x8e: {  	[smem:$0x3FC0] =	sst s2  }
0x8f: {  	_ = 	snop  }
0x90: {  	s2 =	sld [smem:$0x3FD0];
	_ =	sdelay $0x2  }
0x91: {  	s15 =	simm.s32 $0xA;
	s4 =	simm.s32 $0x10  }
0x92: {  	[smem:s4], [sflag:s15] =	dma.local [hbm:s2], $0x1  }
0x93: {  	_ =	swait.eq [sflag:s15], $0x1  }
0x94: {  	[sflag:s15] =	ssyncset.done $0x0  }
0x95: {  	[sflag:s15] =	ssyncadd.s32 $0xFFFFFFFF  }
0x96: {  	s16 =	sld [smem:$0x10];
	(tm) =	ssettm $0x1  }
0x97: {  	s17 =	sld [smem:$0x3FFB];
	_ =	sdelay $0x3  }
0x98: {  	_ =	strace s17  }
0x99: {  	s3 =	sld [smem:$0x3FFC];
	_ =	sdelay $0x3  }
0x9a: {  	_ =	strace s3  }
0x9b: {  	s3 =	sld [smem:$0x3FFD];
	_ =	sdelay $0x3  }
0x9c: {  	_ =	strace s3  }
0x9d: {  	_ =	strace $0x8FFFFFFF  }
0x9e: {  	s18 =	sld [smem:$0x3FDB];
	_ =	sdelay $0x1  }
0x9f: {  	s19 =	simm.s32 $_scs_section_size  }
0xa0: {  	s5 =	simm.s32 $_size__tile_overlayer_lowered;
	s6 =	simm.s32 $_tile_overlayer_lowered  }
0xa1: {  	s22 =	simm.s32 $0x1BFF;
	s21 =	sshll.u32 s6, $0x1;
	s3 =	sadd.s32 s19, s18  }
0xa2: {  	s7 =	simm.s32 $0x0;
	s20 =	sshll.u32 s5, $0x1;
	s5 =	sadd.s32 s21, s3  }
0xa3: {  	[timem:s7], [sflag:s22] =	dma.local [hbm:s5], s20  }
0xa4: {  	_ =	swait.ge [sflag:s22], s20  }
0xa5: {  	s4 =	ssub.s32 $0x0, s20;
	[sflag:s22] =	ssyncset.done $0x0  }
0xa6: {  	[sflag:s22] =	ssyncadd.s32 s4;
	_ =	sdelay $0x1  }
0xa7: {  	s23 =	simm.s32 $0x1B8B  }
0xa8: {  	_ =	swait.ge [sflag:s23], $0x1  }
0xa9: {  	[sflag:s23] =	ssyncset.done $0x0  }
0xaa: {  	s25 =	simm.s32 $0x1B8E;
	s24 =	sld [smem:$0x3FFE];
	[sflag:s23] =	ssyncadd.s32 $0xFFFFFFFF  }
0xab: {  	s26 =	simm.s32 $execute0_lowered;
	[smem:$0x3FD2] =	sst s25  }
0xac: {  	s5 =	sshll.u32 s26, $0x1;
	_ =	strace $0x80000046;
	[dreg:$0x1] =	wrdreg $0xFFFFFFFF  }
0xad: {  	s28 =	simm.s32 $_size_execute0_lowered;
	s3 =	sadd.s32 s3, s5;
	[dreg:$0x0] =	wrdreg $0x0  }
0xae: {  	s5 =	sshll.u32 s28, $0x1;
	[dreg:$0x2] =	wrdreg s3  }
0xaf: {  	[dreg:$0x3] =	wrdreg s5  }
0xb0: {  	[dreg:$0x4] =	wrdreg $0xC0  }
0xb1: {  	_ =	task [dreg:s7], $0x5FFFF  }
0xb2: {  	[dreg:$0x1] =	wrdreg $0xFFFFFFFF  }
0xb3: {  	[dreg:$0x0] =	wrdreg $0x60  }
0xb4: {  	[dreg:$0x2] =	wrdreg s24  }
0xb5: {  	[dreg:$0x3] =	wrdreg s16  }
0xb6: {  	[dreg:$0x4] =	wrdreg $0x5A100  }
0xb7: {  	[dreg:$0x5] =	wrdreg $0x9  }
0xb8: {  	_ =	task.clear_ibuf [dreg:s7], $0x6FFFF;
	_ =	strace $0x90000046  }
0xb9: {  	s29 =	simm.s32 $0x9;
	_ =	strace $0x80000048  }
0xba: {  	_ =	swait.ge [sflag:s29], $0x1  }
0xbb: {  	[sflag:s29] =	ssyncadd.s32 $0xFFFFFFFF  }
0xbc: {  	_ =	strace $0x90000048  }
0xbd: {  	_ =	sfence  }
0xbe: {  	s30 =	sld [smem:$0x0];
	_ =	sdelay $0x2  }
0xbf: {  	s31 =	sshll.u32 s1, $0xD;
	s1 =	sshrl.u32 s1, $0x2  }
0xc0: {  	s3 =	sand.u32 $0x4000, s31;
	s1 =	sadd.s32 s1, s30  }
0xc1: {  	s0 =	sor.u32 s3, s0;
	s1 =	sshll.u32 s1, $0x11  }
0xc2: {  	s0 =	sor.u32 s1, s0  }
0xc3: {  	s0 =	sadd.s32 $0x8F2B, s0  }
0xc4: {  	[sflag:s0] =	ssyncadd.remote.s32 $0x1  }
0xc5: {  	_ =	sfence.sel $0xFFFF  }
0xc6: {  	[dreg:$0x0] =	wrdreg $0xFFFFFFFF;
	(pc) =	sbr.abs _section_cstart, $3  }
0xc7: {  	[dreg:$0x1] =	wrdreg $0xFFFFFFFF  }
0xc8: {  	_ =	task.clear_ibuf [dreg:s7], $0x2FFFF;
	_ =	strace $0x9FFFFFFF  }
0xc9: {  	(tm) =	ssettm $0x7FFFFFFF  }
tec
execute0_lowered:
.L_overlay_start_1:
0x0: {  	(tag) =	ssettag $0x1  }
0x1: {  	s0 =	rddreg [dreg:$0x0]  }
0x2: {  	s1 =	rddreg [dreg:$0x1]  }
0x3: {  	s2 =	rddreg [dreg:$0x2];
	s3 =	simm.s32 $0x0  }
0x4: {  	s17 =	srdreg.scid;
	s10 =	stileid.u32;
	s28 =	simm.s32 $0x2  }
0x5: {  	s29 =	simm.s32 $0x2810;
	s30 =	simm.s32 $0x2710;
	s31 =	simm.s32 $0x2760  }
0x6: {  	[smem:$0x7FF] =	sst s3;
	s5 =	sadd.s32 $0x75800, s0;
	s3 =	sand.u32 $0x1, s17  }
0x7: {  	s4 =	sadd.s32 $0xA200, s0;
	s6 =	smul.u32 $0x64000, s10;
	s7 =	sadd.s32 $0x400, s0  }
0x8: {  	s0 =	sadd.s32 $0xA800, s0;
	s9 =	smul.u32 $0x19000, s10;
	s19 =	sshll.u32 s10, $0x1  }
0x9: {  	_ =	strace $0x80000047;
	[dreg:$0x4] =	wrdreg s4;
	s18 =	ssub.s32 $0x2, s3  }
0xa: {  	s20 =	smul.u32 $0x190000, s3;
	s3 =	sor.u32 s3, s19;
	s8 =	sshrl.u32 s18, $0x1  }
0xb: {  	s6 =	sshrl.u32 s6, $0x2;
	s12 =	sadd.s32 $0x5000, s9;
	s25 =	sadd.s32 $0xA000, s9  }
0xc: {  	s26 =	sadd.s32 $0xF000, s9;
	s4 =	ssub.s32 s18, s8;
	s6 =	sadd.s32 s6, s2  }
0xd: {  	s8 =	sadd.s32 s9, s2;
	s22 =	sadd.s32 s9, s20;
	s23 =	sadd.s32 s20, s12  }
0xe: {  	s15 =	sadd.s32 s20, s25;
	s16 =	sadd.s32 s20, s26;
	s9 =	sadd.s32 $0x14000, s9  }
0xf: {  	s25 =	sadd.s32 s25, s2;
	s26 =	sadd.s32 s26, s2;
	s11 =	sadd.s32 $0x3200, s6  }
0x10: {  	s21 =	sadd.s32 $0x6400, s6;
	s13 =	sadd.s32 $0x9600, s6;
	s14 =	sadd.s32 $0xC800, s6  }
0x11: {  	s24 =	sshrl.u32 s23, $0x3;
	s15 =	sshrl.u32 s15, $0x3;
	s16 =	sshrl.u32 s16, $0x3  }
0x12: {  	s10 =	sadd.s32 s20, s9;
	s18 =	sadd.s32 $0xFA00, s6;
	[dreg:$0x5] =	wrdreg s11  }
0x13: {  	s19 =	sadd.s32 $0x12C00, s6;
	s20 =	sadd.s32 $0x15E00, s6;
	[dreg:$0x6] =	wrdreg s21  }
0x14: {  	s9 =	sadd.s32 s9, s2;
	[dreg:$0x7] =	wrdreg s13;
	s11 =	sshrl.u32 s22, $0x3  }
0x15: {  	[dreg:$0x8] =	wrdreg s14;
	s22 =	sadd.s32 s0, s15;
	s23 =	sadd.s32 s0, s16  }
0x16: {  	s10 =	sshrl.u32 s10, $0x3;
	s21 =	smul.u32 $0x2710, s3;
	[dreg:$0xb] =	wrdreg s22  }
0x17: {  	s3 =	simm.s32 $0x1;
	s11 =	sadd.s32 s0, s11;
	[dreg:$0xc] =	wrdreg s23  }
0x18: {  	s17 =	sadd.s32 s0, s10;
	s22 =	smax.u32 s4, $0x1;
	s4 =	simm.s32 $0x0  }
0x19: {  	[dreg:$0x9] =	wrdreg s11;
	s11 =	sadd.s32 s0, s24;
	s24 =	sadd.s32 s12, s2  }
0x1a: {  	s0 =	simm.s32 $0x50;
	[dreg:$0xa] =	wrdreg s11;
	s23 =	sshrl.u32 s24, $0x3  }
0x1b: {  	v0 =	vimm.f32 $0.0e+00;
	s24 =	sshrl.u32 s25, $0x3;
	s25 =	sshrl.u32 s26, $0x3;
	s26 =	sshrl.u32 s9, $0x3  }
.LBB2_1:
0x1c: {  	s6 =	simm.s32 $0x0;
	s9 =	rddreg [dreg:$0x4]  }
0x1d: {  	[tilespmem:s6], [sflag:$0x2] =	stream.linear.gather [hbm4b:s9+s6], $0x2710, $0x38;
	[tilespmem:$0x1EA10] =	vst v63  }
0x1e: {  	_ =	swait.ge [sflag:s28], $0x2710  }
0x1f: {  	[sflag:s28] =	ssyncset.done $0x0  }
0x20: {  	s6 =	simm.s32 $0x0;
	s9 =	simm.s32 $0x280;
	[sflag:s28] =	ssyncadd.s32 $0xFFFFD8F0  }
.LBB2_2:
0x21: {  	p0 =	sne.s32 s9, $0xC580;
	[tilespmem:s6+$0x28A0] =	vst v0  }
0x22: {  	[tilespmem:s6+$0x2810] =	vst v0  }
0x23: {  	[tilespmem:s6+$0x2820] =	vst v0  }
0x24: {  	[tilespmem:s6+$0x2830] =	vst v0  }
0x25: {  	[tilespmem:s6+$0x2840] =	vst v0  }
.Ltmp0:
0x26: {  	[tilespmem:s6+$0x2850] =	vst v0;
	(pc) =	sbr.rel @p0 .LBB2_2-.Ltmp0, $4  }
0x27: {  	[tilespmem:s6+$0x2860] =	vst v0  }
0x28: {  	[tilespmem:s6+$0x2870] =	vst v0  }
0x29: {  	[tilespmem:s6+$0x2880] =	vst v0  }
0x2a: {  	[tilespmem:s6+$0x2890] =	vst v0;
	s6 =	sshra.s32 s9, $0x2;
	s9 =	sadd.s32 $0x280, s9  }
0x2b: {  	[tilespmem:s6+$0x28A0] =	vst v0  }
0x2c: {  	[tilespmem:s6+$0x2810] =	vst v0  }
0x2d: {  	[tilespmem:s6+$0x2820] =	vst v0  }
0x2e: {  	[tilespmem:s6+$0x2830] =	vst v0  }
0x2f: {  	[tilespmem:s6+$0x2840] =	vst v0  }
0x30: {  	[tilespmem:s6+$0x2850] =	vst v0  }
0x31: {  	[tilespmem:s6+$0x2860] =	vst v0  }
0x32: {  	[tilespmem:s6+$0x2870] =	vst v0  }
0x33: {  	[tilespmem:s6+$0x2880] =	vst v0  }
0x34: {  	[tilespmem:s6+$0x2890] =	vst v0  }
0x35: {  	[spmem:s8] =	stream.linear.scatter [tilespmem:s29], [sflag:$0x2], $0x3200, $0x38;
	[tilespmem:$0x1EA10] =	vst v63  }
0x36: {  	_ =	swait.ge [sflag:s28], $0x3200  }
0x37: {  	[sflag:s28] =	ssyncset.done $0x0  }
0x38: {  	s13 =	rddreg [dreg:$0x5];
	[sflag:s28] =	ssyncadd.s32 $0xFFFFCE00  }
0x39: {  	[spmem:s13] =	stream.linear.scatter [tilespmem:s29], [sflag:$0x2], $0x3200, $0x38;
	[tilespmem:$0x1EA10] =	vst v63  }
0x3a: {  	_ =	swait.ge [sflag:s28], $0x3200  }
0x3b: {  	[sflag:s28] =	ssyncset.done $0x0  }
0x3c: {  	s14 =	rddreg [dreg:$0x6];
	[sflag:s28] =	ssyncadd.s32 $0xFFFFCE00  }
0x3d: {  	[spmem:s14] =	stream.linear.scatter [tilespmem:s29], [sflag:$0x2], $0x3200, $0x38;
	[tilespmem:$0x1EA10] =	vst v63  }
0x3e: {  	_ =	swait.ge [sflag:s28], $0x3200  }
0x3f: {  	[sflag:s28] =	ssyncset.done $0x0  }
0x40: {  	s15 =	rddreg [dreg:$0x7];
	[sflag:s28] =	ssyncadd.s32 $0xFFFFCE00  }
0x41: {  	[spmem:s15] =	stream.linear.scatter [tilespmem:s29], [sflag:$0x2], $0x3200, $0x38;
	[tilespmem:$0x1EA10] =	vst v63  }
0x42: {  	_ =	swait.ge [sflag:s28], $0x3200  }
0x43: {  	[sflag:s28] =	ssyncset.done $0x0  }
0x44: {  	s16 =	rddreg [dreg:$0x8];
	[sflag:s28] =	ssyncadd.s32 $0xFFFFCE00  }
0x45: {  	[spmem:s16] =	stream.linear.scatter [tilespmem:s29], [sflag:$0x2], $0x3200, $0x38;
	[tilespmem:$0x1EA10] =	vst v63  }
0x46: {  	_ =	swait.ge [sflag:s28], $0x3200  }
0x47: {  	[sflag:s28] =	ssyncset.done $0x0  }
0x48: {  	[sflag:s28] =	ssyncadd.s32 $0xFFFFCE00  }
0x49: {  	[spmem:s18] =	stream.linear.scatter [tilespmem:s29], [sflag:$0x2], $0x3200, $0x38;
	[tilespmem:$0x1EA10] =	vst v63  }
0x4a: {  	_ =	swait.ge [sflag:s28], $0x3200  }
0x4b: {  	[sflag:s28] =	ssyncset.done $0x0  }
0x4c: {  	[sflag:s28] =	ssyncadd.s32 $0xFFFFCE00  }
0x4d: {  	[spmem:s19] =	stream.linear.scatter [tilespmem:s29], [sflag:$0x2], $0x3200, $0x38;
	[tilespmem:$0x1EA10] =	vst v63  }
0x4e: {  	_ =	swait.ge [sflag:s28], $0x3200  }
0x4f: {  	[sflag:s28] =	ssyncset.done $0x0  }
0x50: {  	[sflag:s28] =	ssyncadd.s32 $0xFFFFCE00  }
0x51: {  	[spmem:s20] =	stream.linear.scatter [tilespmem:s29], [sflag:$0x2], $0x3200, $0x38;
	[tilespmem:$0x1EA10] =	vst v63  }
0x52: {  	_ =	swait.ge [sflag:s28], $0x3200  }
0x53: {  	[sflag:s28] =	ssyncset.done $0x0  }
0x54: {  	[sflag:s28] =	ssyncadd.s32 $0xFFFFCE00  }
0x55: {  	s6 =	simm.s32 $0x0;
	s9 =	simm.s32 $0x0;
	[bflag:$0x0] =	sbarrier.arrive $0xFFFF  }
.LBB2_4:
0x56: {  	s10 =	smul.u32 $0x50, s9;
	_ =	sdelay $0x1  }
0x57: {  	s10 =	sadd.s32 s21, s10  }
0x58: {  	s10 =	sshrl.u32 s10, $0x3  }
0x59: {  	s11 =	sadd.s32 s7, s10  }
0x5a: {  	[tilespmem:s30], [sflag:$0x2] =	stream.linear.gather [hbm4b:s11+s6], $0x50, $0x38;
	[tilespmem:$0x1EA10] =	vst v63  }
0x5b: {  	_ =	swait.ge [sflag:s28], $0x50  }
0x5c: {  	[sflag:s28] =	ssyncset.done $0x0  }
0x5d: {  	s10 =	sadd.s32 s1, s10;
	[sflag:s28] =	ssyncadd.s32 $0xFFFFFFB0  }
0x5e: {  	[tilespmem:s31], [sflag:$0x2] =	stream.linear.gather [hbm4b:s10+s6], $0x50, $0x38;
	[tilespmem:$0x1EA10] =	vst v63  }
0x5f: {  	_ =	swait.ge [sflag:s28], $0x50  }
0x60: {  	[sflag:s28] =	ssyncset.done $0x0  }
0x61: {  	[sflag:s28] =	ssyncadd.s32 $0xFFFFFFB0  }
0x62: {  	[tilespmem:s29], [sflag:$0x1] =	stream.indirect.gather [hbm4b:s5+s0], $0xA0, s30, s0, $0xb8;
	[tilespmem:$0x1EA10] =	vst v63  }
0x63: {  	v1 =	vld [tilespmem:$0x2760];
	_ =	sdelay $0x5  }
0x64: {  	v2 =	vld [tilespmem:$0x2770];
	_ =	sdelay $0x1  }
0x65: {  	v1 =	vld.idx.msk [tilespmem:v1+s6+$0x0], $0xffff;
	_ =	sdelay $0x3  }
0x66: {  	v3 =	vld [tilespmem:$0x2780]  }
0x67: {  	[tilespmem:$0x27B0] =	vst v1  }
0x68: {  	v1 =	vld.idx.msk [tilespmem:v2+s6+$0x0], $0xffff;
	_ =	sdelay $0x3  }
0x69: {  	v2 =	vld [tilespmem:$0x2790]  }
0x6a: {  	[tilespmem:$0x27C0] =	vst v1  }
0x6b: {  	v1 =	vld.idx.msk [tilespmem:v3+s6+$0x0], $0xffff;
	_ =	sdelay $0x3  }
0x6c: {  	v3 =	vld [tilespmem:$0x27A0]  }
0x6d: {  	[tilespmem:$0x27D0] =	vst v1  }
0x6e: {  	v1 =	vld.idx.msk [tilespmem:v2+s6+$0x0], $0xffff;
	_ =	sdelay $0x4  }
0x6f: {  	[tilespmem:$0x27E0] =	vst v1  }
0x70: {  	v1 =	vld.idx.msk [tilespmem:v3+s6+$0x0], $0xffff;
	_ =	sdelay $0x4  }
0x71: {  	[tilespmem:$0x27F0] =	vst v1  }
0x72: {  	_ =	swait.ge [sflag:s3], $0x3200  }
0x73: {  	[sflag:s3] =	ssyncset.done $0x0  }
0x74: {  	s10 =	simm.s32 $0x2860;
	[sflag:s3] =	ssyncadd.s32 $0xFFFFCE00  }
0x75: {  	s13 =	simm.s32 $0x0;
	s12 =	simm.s32 $0x4;
	s11 =	simm.s32 $0x2860;
	v1 =	vld [tilespmem:s10+$0x40]  }
.LBB2_5:
0x76: {  	p0 =	sne.s32 s12, $0x13C;
	v2 =	vld [tilespmem:s13+$0x27B0];
	_ =	sdelay $0x3  }
0x77: {  	(v2sf) =	vpush v1, $0x1  }
0x78: {  	(v2sf) =	vpush v2, $0x0;
	_ =	sdelay $0xd  }
0x79: {  	s13 =	spop (v2sf)  }
0x7a: {  	s14 =	spop (v2sf)  }
0x7b: {  	s13 =	sadd.f32 s14, s13  }
0x7c: {  	p1 =	sge.f32 s14, $0.0e+00;
	s15 =	smul.f32 $2.000000030e-01, s14  }
0x7d: {  	p2 =	sge.f32 s13, $0.0e+00;
	s16 =	smul.f32 $2.000000030e-01, s13  }
0x7e: {  	_ = 	snop  }
0x7f: {  	s15 =	smov.u32 @p1 s14;
	s16 =	smov.u32 @p2 s13  }
0x80: {  	s13 =	ssub.f32 s16, s15;
	_ =	sdelay $0x1  }
0x81: {  	v1 =	vmov s13  }
0x82: {  	v1 =	vmul.f32 $1.442695020e+00, v1;
	_ =	sdelay $0x1  }
0x83: {  	v1 =	vbroadcast v1, $0x0;
	_ =	sdelay $0x1  }
0x84: {  	(erf) = vpow2.f32 v1  }
0x85: {  	v1 =	vld [tilespmem:s10+$0xFFFFFFF0]  }
0x86: {  	v2 =	vld [tilespmem:s10+$0x20]  }
0x87: {  	v3 =	vld [tilespmem:s10+$0xFFFFFFE0]  }
0x88: {  	v4 =	vld [tilespmem:s10+$0xFFFFFFC0]  }
0x89: {  	v5 =	vld [tilespmem:s10+$0xFFFFFFB0]  }
0x8a: {  	v6 =	vld [tilespmem:s10+$0xFFFFFFD0]  }
0x8b: {  	v7 =	vld [tilespmem:s10+$0x0]  }
0x8c: {  	v8 =	vld [tilespmem:s10+$0x10]  }
0x8d: {  	v9 =	vld [tilespmem:s10+$0x30];
	v10 =	vpop (erf)  }
0x8e: {  	v5 =	vmul.f32 v10, v5;
	v4 =	vmul.f32 v10, v4  }
0x8f: {  	v3 =	vmul.f32 v10, v3;
	v6 =	vmul.f32 v10, v6  }
0x90: {  	v1 =	vmul.f32 v10, v1;
	[tilespmem:s10+$0xFFFFFFB0] =	vst v5;
	v5 =	vmul.f32 v7, v10  }
0x91: {  	v2 =	vmul.f32 v2, v10;
	[tilespmem:s10+$0xFFFFFFC0] =	vst v4;
	v4 =	vmul.f32 v8, v10  }
0x92: {  	[tilespmem:s10+$0xFFFFFFD0] =	vst v6;
	v6 =	vmul.f32 v9, v10  }
0x93: {  	[tilespmem:s10+$0xFFFFFFE0] =	vst v3  }
.Ltmp1:
0x94: {  	[tilespmem:s10+$0xFFFFFFF0] =	vst v1;
	(pc) =	sbr.rel @p0 .LBB2_5-.Ltmp1, $4  }
0x95: {  	[tilespmem:s10+$0x0] =	vst v5  }
0x96: {  	[tilespmem:s10+$0x10] =	vst v4  }
0x97: {  	s10 =	sadd.s32 $0xA0, s10;
	[tilespmem:s11+$0x20] =	vst v2  }
0x98: {  	s13 =	sshra.s32 s12, $0x2;
	s12 =	sadd.s32 $0x4, s12;
	v1 =	vld [tilespmem:s10+$0x40];
	[tilespmem:s11+$0x30] =	vst v6;
	s11 =	smov.u32 s10  }
0x99: {  	v2 =	vld [tilespmem:s13+$0x27B0];
	_ =	sdelay $0x3  }
0x9a: {  	(v2sf) =	vpush v1, $0x1  }
0x9b: {  	(v2sf) =	vpush v2, $0x0;
	_ =	sdelay $0xd  }
0x9c: {  	s12 =	spop (v2sf)  }
0x9d: {  	s13 =	spop (v2sf)  }
0x9e: {  	s12 =	sadd.f32 s13, s12  }
0x9f: {  	p0 =	sge.f32 s13, $0.0e+00;
	s14 =	smul.f32 $2.000000030e-01, s13  }
0xa0: {  	p1 =	sge.f32 s12, $0.0e+00;
	s15 =	smul.f32 $2.000000030e-01, s12  }
0xa1: {  	_ = 	snop  }
0xa2: {  	s14 =	smov.u32 @p0 s13;
	s15 =	smov.u32 @p1 s12  }
0xa3: {  	s12 =	ssub.f32 s15, s14;
	_ =	sdelay $0x1  }
0xa4: {  	v1 =	vmov s12  }
0xa5: {  	v1 =	vmul.f32 $1.442695020e+00, v1;
	_ =	sdelay $0x1  }
0xa6: {  	v1 =	vbroadcast v1, $0x0;
	_ =	sdelay $0x1  }
0xa7: {  	(erf) = vpow2.f32 v1;
	_ =	sdelay $0x4  }
0xa8: {  	v1 =	vld [tilespmem:s10+$0xFFFFFFB0]  }
0xa9: {  	v2 =	vld [tilespmem:s10+$0xFFFFFFC0]  }
0xaa: {  	v3 =	vld [tilespmem:s10+$0xFFFFFFD0]  }
0xab: {  	v4 =	vld [tilespmem:s10+$0xFFFFFFE0]  }
0xac: {  	v8 =	vld [tilespmem:s10+$0x10];
	v6 =	vpop (erf)  }
0xad: {  	v5 =	vld [tilespmem:s10+$0xFFFFFFF0];
	v1 =	vmul.f32 v6, v1  }
0xae: {  	v7 =	vld [tilespmem:s10+$0x0];
	v2 =	vmul.f32 v6, v2  }
0xaf: {  	v9 =	vld [tilespmem:s10+$0x20];
	v3 =	vmul.f32 v6, v3;
	[tilespmem:s10+$0xFFFFFFB0] =	vst v1  }
0xb0: {  	v4 =	vmul.f32 v6, v4;
	v1 =	vld [tilespmem:s10+$0x30];
	[tilespmem:s10+$0xFFFFFFC0] =	vst v2  }
0xb1: {  	v63 =	vmul.f32 v8, v6;
	[tilespmem:s10+$0xFFFFFFD0] =	vst v3  }
0xb2: {  	v2 =	vmul.f32 v6, v5;
	[tilespmem:s10+$0xFFFFFFE0] =	vst v4  }
0xb3: {  	v3 =	vmul.f32 v7, v6;
	[tilespmem:s10+$0x10] =	vst v63  }
0xb4: {  	[tilespmem:s10+$0xFFFFFFF0] =	vst v2;
	v2 =	vmul.f32 v9, v6  }
0xb5: {  	s9 =	sadd.s32 $0x1, s9;
	[tilespmem:s10+$0x0] =	vst v3;
	v1 =	vmul.f32 v1, v6  }
0xb6: {  	p0 =	sne.s32 s9, $0x7D;
	[tilespmem:s11+$0x20] =	vst v2  }
.Ltmp2:
0xb7: {  	[tilespmem:s11+$0x30] =	vst v1;
	(pc) =	sbr.rel @p0 .LBB2_4-.Ltmp2, $4  }
0xb8: {  	[spmem:s2] =	stream.indirect.scatter.add.f32 [tilespmem:s29], [sflag:$0x2], $0xA0, s31, s0, $0xb8;
	[tilespmem:$0x1EA10] =	vst v63  }
0xb9: {  	_ =	swait.ge [sflag:s28], $0x3200  }
0xba: {  	[sflag:s28] =	ssyncset.done $0x0  }
0xbb: {  	[sflag:s28] =	ssyncadd.s32 $0xFFFFCE00  }
0xbc: {  	s6 =	stileid.u32  }
0xbd: {  	[bflag:$0x0] =	sbarrier.arrive $0xFFFF;
	s6 =	sshll.u32 s6, $0x6  }
0xbe: {  	s9 =	sshrl.u32 s8, $0x3;
	s10 =	rddreg [dreg:$0x9];
	s6 =	sor.u32 $0x1C02, s6  }
0xbf: {  	[hbm:s10], [sflag:s6] =	dma.local [spmem:s9], $0xA00  }
0xc0: {  	_ =	swait.ge [sflag:s28], $0xA00  }
0xc1: {  	[sflag:s28] =	ssyncset.done $0x0  }
0xc2: {  	s14 =	rddreg [dreg:$0xa];
	[sflag:s28] =	ssyncadd.s32 $0xFFFFF600  }
0xc3: {  	[hbm:s14], [sflag:s6] =	dma.local [spmem:s23], $0xA00  }
0xc4: {  	_ =	swait.ge [sflag:s28], $0xA00  }
0xc5: {  	[sflag:s28] =	ssyncset.done $0x0  }
0xc6: {  	s15 =	rddreg [dreg:$0xb];
	[sflag:s28] =	ssyncadd.s32 $0xFFFFF600  }
0xc7: {  	[hbm:s15], [sflag:s6] =	dma.local [spmem:s24], $0xA00  }
0xc8: {  	_ =	swait.ge [sflag:s28], $0xA00  }
0xc9: {  	[sflag:s28] =	ssyncset.done $0x0  }
0xca: {  	s16 =	rddreg [dreg:$0xc];
	[sflag:s28] =	ssyncadd.s32 $0xFFFFF600  }
0xcb: {  	[hbm:s16], [sflag:s6] =	dma.local [spmem:s25], $0xA00  }
0xcc: {  	s4 =	sadd.s32 $0x1, s4;
	_ =	swait.ge [sflag:s28], $0xA00  }
0xcd: {  	p0 =	sne.s32 s4, s22;
	[sflag:s28] =	ssyncset.done $0x0  }
.Ltmp3:
0xce: {  	[sflag:s28] =	ssyncadd.s32 $0xFFFFF600;
	(pc) =	sbr.rel @p0 .LBB2_1-.Ltmp3, $4  }
0xcf: {  	[hbm:s17], [sflag:s6] =	dma.local [spmem:s26], $0xA00  }
0xd0: {  	_ =	swait.ge [sflag:s28], $0xA00  }
0xd1: {  	[sflag:s28] =	ssyncset.done $0x0  }
0xd2: {  	[sflag:s28] =	ssyncadd.s32 $0xFFFFF600  }
0xd3: {  	_ =	sfence.sel $0x180000  }
0xd4: {  	[bflag:$0x0] =	sbarrier.arrive $0xFFFF  }
0xd5: {  	_ =	strace $0x90000047  }
0xd6: {  	s0 =	stileid.u32;
	[bflag:$0x2] =	sbarrier.arrive $0xFFFF  }
0xd7: {  	p0 =	sne.s32 s0, $0x0;
	s0 =	rddreg [dreg:$0x3]  }
0xd8: {  	s0 =	sadd.s32 @!p0 $0x100000, s0  }
0xd9: {  	[sflag:s0] =	ssyncadd.tile.s32 @!p0 $0x1;
	_ =	shalt  }
.Lfunc_end2:
_tile_overlayer_lowered:
.L_overlay_start_2:
0xda: {  	(tag) =	ssettag $0x2  }
0xdb: {  	s0 =	rddreg [dreg:$0x0];
	s2 =	stileid.u32  }
0xdc: {  	s1 =	rddreg [dreg:$0x1];
	p0 =	sne.s32 s2, $0x0  }
0xdd: {  	s3 =	rddreg [dreg:$0x2];
	[bflag:$0x3] =	sbarrier.arrive $0xFFFF;
	s2 =	simm.s32 @!p0 $0x1C02  }
0xde: {  	[timem:s3], [sflag:s2] =	dma.local @!p0 [hbm:s0], s1  }
0xdf: {  	s0 =	simm.s32 @!p0 $0x2  }
0xe0: {  	_ =	swait.ge @!p0 [sflag:s0], s1  }
0xe1: {  	s1 =	ssub.s32 @!p0 $0x0, s1;
	[sflag:s0] =	ssyncset.done @!p0 $0x0  }
0xe2: {  	[sflag:s0] =	ssyncadd.s32 @!p0 s1  }
0xe3: {  	[bflag:$0x3] =	sbarrier.arrive $0xFFFF  }
0xe4: {  	_ =	shalt  }

</sc_bundles>
